<compile_context>
chip_gen: v7x
topology: tpu7x:2x2x1
jax: 0.10.2.dev20260603
libtpu: 0.0.44.dev20260713+nightly
codegen_flags: <defaults>
</compile_context>

<pallas_src>
import functools

import jax
import jax.numpy as jnp
from jax import lax
from jax.experimental import pallas as pl
from jax.experimental.pallas import tpu as pltpu
from jax.experimental.pallas import tpu_sc as plsc

BATCH = 16384
DIM = 128
CHUNK = 128
KNOW = 128


@functools.cache
def _gather_kernel():
    info = plsc.get_sparse_core_info()
    nc, ns = info.num_cores, info.num_subcores
    nw = nc * ns
    b_per_w = BATCH // nw
    n_chunks = b_per_w // CHUNK
    mesh = plsc.VectorSubcoreMesh(core_axis_name="c", subcore_axis_name="s")

    @functools.partial(
        pl.kernel,
        mesh=mesh,
        out_type=(
            jax.ShapeDtypeStruct((BATCH, DIM), jnp.float32),
            jax.ShapeDtypeStruct((BATCH, DIM), jnp.float32),
            jax.ShapeDtypeStruct((BATCH,), jnp.float32),
            jax.ShapeDtypeStruct((KNOW, DIM), jnp.float32),
        ),
        scratch_types=[
            pltpu.VMEM((b_per_w,), jnp.int32),
            pltpu.VMEM((b_per_w,), jnp.int32),
            pltpu.VMEM((7, CHUNK, DIM), jnp.float32),
            pltpu.VMEM((b_per_w,), jnp.float32),
            pltpu.VMEM((KNOW // ns, DIM), jnp.float32),
        ] + [pltpu.SemaphoreType.DMA] * 11,
    )
    def k(sid_hbm, eid_hbm, semb_hbm, demb_hbm, disc_hbm, know_hbm,
          sout_hbm, dout_hbm, discout_hbm, knowout_hbm,
          sidx_v, eidx_v, rows_v, disc_v, know_v, *sems):
        gsems, dsem, isem_s, isem_e, ksem = (
            sems[0:7], sems[7], sems[8], sems[9], sems[10])
        wid = lax.axis_index("s") * nc + lax.axis_index("c")
        base = wid * b_per_w
        h_sidx = pltpu.async_copy(sid_hbm.at[pl.ds(base, b_per_w)], sidx_v, isem_s)
        h_eidx = pltpu.async_copy(eid_hbm.at[pl.ds(base, b_per_w)], eidx_v, isem_e)
        krows = KNOW // ns

        ntask = 2 * n_chunks
        nslot = 7

        def gather_task(t, slot):
            j = t % n_chunks
            sl = pl.ds(j * CHUNK, CHUNK)
            src = semb_hbm.at[sidx_v.at[sl]] if t < n_chunks \
                else demb_hbm.at[eidx_v.at[sl]]
            return pltpu.async_copy(src, rows_v.at[slot], gsems[slot])

        def write_task(t, slot):
            j = t % n_chunks
            dst = (sout_hbm if t < n_chunks else dout_hbm
                   ).at[pl.ds(base + j * CHUNK, CHUNK)]
            return pltpu.async_copy(rows_v.at[slot], dst, gsems[slot])

        g = [None] * ntask
        w = [None] * ntask
        h_sidx.wait()
        for t in range(n_chunks):
            g[t] = gather_task(t, t)

        @pl.when(wid < ns)
        def _():
            pltpu.async_copy(
                know_hbm.at[pl.ds(wid * krows, krows)], know_v, ksem)

        h_eidx.wait()
        for t in range(n_chunks, nslot):
            g[t] = gather_task(t, t)
        disc_handles = [
            pltpu.async_copy(
                disc_hbm.at[eidx_v.at[pl.ds(j * CHUNK, CHUNK)]],
                disc_v.at[pl.ds(j * CHUNK, CHUNK)], dsem)
            for j in range(n_chunks)
        ]
        for t in range(ntask):
            g[t].wait()
            w[t] = write_task(t, t % nslot)
            nt = t + nslot
            if nt < ntask:
                w[t].wait()
                g[nt] = gather_task(nt, nt % nslot)
            if t == 4:
                for h in disc_handles:
                    h.wait()
                hd = pltpu.async_copy(
                    disc_v, discout_hbm.at[pl.ds(base, b_per_w)], dsem)

                @pl.when(wid < ns)
                def _():
                    pltpu.make_async_copy(
                        know_hbm.at[pl.ds(wid * krows, krows)], know_v,
                        ksem).wait()
                    pltpu.async_copy(
                        know_v, knowout_hbm.at[pl.ds(wid * krows, krows)], ksem)

        for t in range(ntask - nslot, ntask):
            w[t].wait()
        hd.wait()

        @pl.when(wid < ns)
        def _():
            pltpu.make_async_copy(
                know_v, knowout_hbm.at[pl.ds(wid * krows, krows)], ksem).wait()

    return k


def kernel(student_id, exercise_id, q_mask, student_emb, diff_emb, disc_emb, knowledge_emb):
    del q_mask
    student_ts, diff_ts, disc_ts, knowledge_ts = _gather_kernel()(
        student_id, exercise_id, student_emb, diff_emb, disc_emb.reshape(-1),
        knowledge_emb)
    return (student_ts, diff_ts, disc_ts.reshape(-1, 1), knowledge_ts)

# --- scband reference (transcript-rebuilt; emitter-appended) ---
"""Pipeline reference for scband-default-64536178589899 (READ-ONLY COPY).

The authoritative reference and input builder live on the scoring server;
editing this copy changes nothing except your own understanding.
"""

import jax, jax.numpy as jnp
import numpy as np

STUDENT_NUM = 100000
EXERCISE_NUM = 100000
KNOWLEDGE_NUM = 128
LATENT_DIM = 128
BATCH = 16384


def _xavier_normal(key, shape):
    fan_in, fan_out = shape[1], shape[0]
    std = float(np.sqrt(2.0 / (fan_in + fan_out)))
    return jax.random.normal(key, shape, dtype=jnp.float32) * std


def setup_inputs(seed: int = 0) -> dict:
    key = jax.random.key(seed)
    k0, k1, k2, k3, k4, k5, k6 = jax.random.split(key, 7)
    student_id = jax.random.randint(k0, (BATCH,), 0, STUDENT_NUM, dtype=jnp.int32)
    exercise_id = jax.random.randint(k1, (BATCH,), 0, EXERCISE_NUM, dtype=jnp.int32)
    q_mask = jax.random.uniform(k2, (BATCH, KNOWLEDGE_NUM), dtype=jnp.float32)
    # Learned parameters (nn.Embedding weights, xavier_normal initialized)
    student_emb = _xavier_normal(k3, (STUDENT_NUM, LATENT_DIM))
    diff_emb = _xavier_normal(k4, (EXERCISE_NUM, LATENT_DIM))
    disc_emb = _xavier_normal(k5, (EXERCISE_NUM, 1))
    knowledge_emb = _xavier_normal(k6, (KNOWLEDGE_NUM, LATENT_DIM))
    return {
        "student_id": student_id,
        "exercise_id": exercise_id,
        "q_mask": q_mask,
        "student_emb": student_emb,
        "diff_emb": diff_emb,
        "disc_emb": disc_emb,
        "knowledge_emb": knowledge_emb,
    }


def reference(student_id, exercise_id, q_mask, student_emb, diff_emb, disc_emb, knowledge_emb):
    # Faithful translation of Default.extract:
    #   student_ts = student_emb(student_id)
    #   diff_ts    = diff_emb(exercise_id)
    #   disc_ts    = disc_emb(exercise_id)
    #   knowledge_ts = knowledge_emb.weight (full table)
    # q_mask is accepted but unused by extract(), matching the original module.
    student_ts = jnp.take(student_emb, student_id, axis=0)
    diff_ts = jnp.take(diff_emb, exercise_id, axis=0)
    disc_ts = jnp.take(disc_emb, exercise_id, axis=0)
    knowledge_ts = knowledge_emb
    return (student_ts, diff_ts, disc_ts, knowledge_ts)

if __name__ == "__main__":
    import jax
    _d = setup_inputs()
    print(jax.jit(kernel)(*tuple(_d.values())))

</pallas_src>

<mosaic_0001>
#map = affine_map<(d0, d1) -> (0)>
#map1 = affine_map<(d0, d1) -> (0, 0)>
module attributes {stable_mosaic.version = 14 : i64} {
  func.func @k(%arg0: i32, %arg1: i32, %arg2: memref<16384xi32, #tpu.memory_space<hbm>>, %arg3: memref<16384xi32, #tpu.memory_space<hbm>>, %arg4: memref<100000x128xf32, #tpu.memory_space<hbm>>, %arg5: memref<100000x128xf32, #tpu.memory_space<hbm>>, %arg6: memref<100000xf32, #tpu.memory_space<hbm>>, %arg7: memref<128x128xf32, #tpu.memory_space<hbm>>, %arg8: memref<16384x128xf32, #tpu.memory_space<hbm>>, %arg9: memref<16384x128xf32, #tpu.memory_space<hbm>>, %arg10: memref<16384xf32, #tpu.memory_space<hbm>>, %arg11: memref<128x128xf32, #tpu.memory_space<hbm>>, %arg12: memref<512xi32, #tpu.memory_space<vmem>>, %arg13: memref<512xi32, #tpu.memory_space<vmem>>, %arg14: memref<7x128x128xf32, #tpu.memory_space<vmem>>, %arg15: memref<512xf32, #tpu.memory_space<vmem>>, %arg16: memref<8x128xf32, #tpu.memory_space<vmem>>, %arg17: memref<!tpu.dma_semaphore, #tpu.memory_space<semaphore_mem>>, %arg18: memref<!tpu.dma_semaphore, #tpu.memory_space<semaphore_mem>>, %arg19: memref<!tpu.dma_semaphore, #tpu.memory_space<semaphore_mem>>, %arg20: memref<!tpu.dma_semaphore, #tpu.memory_space<semaphore_mem>>, %arg21: memref<!tpu.dma_semaphore, #tpu.memory_space<semaphore_mem>>, %arg22: memref<!tpu.dma_semaphore, #tpu.memory_space<semaphore_mem>>, %arg23: memref<!tpu.dma_semaphore, #tpu.memory_space<semaphore_mem>>, %arg24: memref<!tpu.dma_semaphore, #tpu.memory_space<semaphore_mem>>, %arg25: memref<!tpu.dma_semaphore, #tpu.memory_space<semaphore_mem>>, %arg26: memref<!tpu.dma_semaphore, #tpu.memory_space<semaphore_mem>>, %arg27: memref<!tpu.dma_semaphore, #tpu.memory_space<semaphore_mem>>) attributes {dimension_semantics = [#tpu.dimension_semantics<core_parallel>, #tpu.dimension_semantics<subcore_parallel>], iteration_bounds = array<i64: 2, 16>, scalar_prefetch = 0 : i64, scratch_operands = 16 : i64, tpu.core_type = #tpu.core_type<sc_vector_subcore>, window_params = [{transform_indices = #map}, {transform_indices = #map}, {transform_indices = #map1}, {transform_indices = #map1}, {transform_indices = #map}, {transform_indices = #map1}, {transform_indices = #map1}, {transform_indices = #map1}, {transform_indices = #map}, {transform_indices = #map1}]} {
    %mul3A = arith.constant 2 : i32
    %mul3A_0 = arith.muli %arg1, %mul3A : i32
    %add3A = arith.addi %mul3A_0, %arg0 : i32
    %mul3A_1 = arith.constant 512 : i32
    %mul3A_2 = arith.muli %add3A, %mul3A_1 : i32
    %dma_start3A = tpu.memref_slice %arg2[%mul3A_2] : memref<16384xi32, #tpu.memory_space<hbm>> -> memref<512xi32, #tpu.memory_space<hbm>>
    %dma_start3A_3 = tpu.memref_slice %arg2[%mul3A_2] : memref<16384xi32, #tpu.memory_space<hbm>> -> memref<512xi32, #tpu.memory_space<hbm>>
    tpu.enqueue_dma source(%dma_start3A_3 : memref<512xi32, #tpu.memory_space<hbm>>) target(%arg12 : memref<512xi32, #tpu.memory_space<vmem>>) target_semaphore(%arg25 : memref<!tpu.dma_semaphore, #tpu.memory_space<semaphore_mem>>)
    %dma_start3A_4 = tpu.memref_slice %arg3[%mul3A_2] : memref<16384xi32, #tpu.memory_space<hbm>> -> memref<512xi32, #tpu.memory_space<hbm>>
    %dma_start3A_5 = tpu.memref_slice %arg3[%mul3A_2] : memref<16384xi32, #tpu.memory_space<hbm>> -> memref<512xi32, #tpu.memory_space<hbm>>
    tpu.enqueue_dma source(%dma_start3A_5 : memref<512xi32, #tpu.memory_space<hbm>>) target(%arg13 : memref<512xi32, #tpu.memory_space<vmem>>) target_semaphore(%arg26 : memref<!tpu.dma_semaphore, #tpu.memory_space<semaphore_mem>>)
    %dma_wait3A = tpu.memref_slice %arg2[%mul3A_2] : memref<16384xi32, #tpu.memory_space<hbm>> -> memref<512xi32, #tpu.memory_space<hbm>>
    %dma_wait3A_6 = tpu.memref_slice %arg2[%mul3A_2] : memref<16384xi32, #tpu.memory_space<hbm>> -> memref<512xi32, #tpu.memory_space<hbm>>
    tpu.wait_dma2 semaphore(%arg25 : memref<!tpu.dma_semaphore, #tpu.memory_space<semaphore_mem>>) src(%dma_wait3A_6 : memref<512xi32, #tpu.memory_space<hbm>>) dst(%arg12 : memref<512xi32, #tpu.memory_space<vmem>>)
    %dma_start3A_7 = arith.constant 0 : i32
    %dma_start3A_8 = arith.constant 0 : i32
    %dma_start3A_9 = arith.constant 0 : i32
    %dma_start3A_10 = tpu.memref_slice %arg14[%dma_start3A_7, %dma_start3A_8, %dma_start3A_9] : memref<7x128x128xf32, #tpu.memory_space<vmem>> -> memref<1x128x128xf32, #tpu.memory_space<vmem>>
    %dma_start3A_11 = tpu.memref_squeeze %dma_start3A_10 : memref<1x128x128xf32, #tpu.memory_space<vmem>> -> memref<128x128xf32, #tpu.memory_space<vmem>>
    %dma_start3A_12 = arith.constant 0 : i32
    %dma_start3A_13 = tpu.memref_slice %arg12[%dma_start3A_12] : memref<512xi32, #tpu.memory_space<vmem>> -> memref<128xi32, #tpu.memory_space<vmem>>
    %dma_start3A_14 = arith.constant 0 : i32
    %dma_start3A_15 = arith.constant 0 : i32
    %dma_start3A_16 = tpu.memref_slice %arg4[%dma_start3A_14, %dma_start3A_15] : memref<100000x128xf32, #tpu.memory_space<hbm>> -> memref<100000x128xf32, #tpu.memory_space<hbm>>
    tpu.enqueue_indirect_dma source(%dma_start3A_16 : memref<100000x128xf32, #tpu.memory_space<hbm>>) target(%dma_start3A_11 : memref<128x128xf32, #tpu.memory_space<vmem>>) offsets(%dma_start3A_13 : memref<128xi32, #tpu.memory_space<vmem>>) semaphore(%arg17 : memref<!tpu.dma_semaphore, #tpu.memory_space<semaphore_mem>>)
    %dma_start3A_17 = arith.constant 1 : i32
    %dma_start3A_18 = arith.constant 0 : i32
    %dma_start3A_19 = arith.constant 0 : i32
    %dma_start3A_20 = tpu.memref_slice %arg14[%dma_start3A_17, %dma_start3A_18, %dma_start3A_19] : memref<7x128x128xf32, #tpu.memory_space<vmem>> -> memref<1x128x128xf32, #tpu.memory_space<vmem>>
    %dma_start3A_21 = tpu.memref_squeeze %dma_start3A_20 : memref<1x128x128xf32, #tpu.memory_space<vmem>> -> memref<128x128xf32, #tpu.memory_space<vmem>>
    %dma_start3A_22 = arith.constant 128 : i32
    %dma_start3A_23 = tpu.memref_slice %arg12[%dma_start3A_22] : memref<512xi32, #tpu.memory_space<vmem>> -> memref<128xi32, #tpu.memory_space<vmem>>
    %dma_start3A_24 = arith.constant 0 : i32
    %dma_start3A_25 = arith.constant 0 : i32
    %dma_start3A_26 = tpu.memref_slice %arg4[%dma_start3A_24, %dma_start3A_25] : memref<100000x128xf32, #tpu.memory_space<hbm>> -> memref<100000x128xf32, #tpu.memory_space<hbm>>
    tpu.enqueue_indirect_dma source(%dma_start3A_26 : memref<100000x128xf32, #tpu.memory_space<hbm>>) target(%dma_start3A_21 : memref<128x128xf32, #tpu.memory_space<vmem>>) offsets(%dma_start3A_23 : memref<128xi32, #tpu.memory_space<vmem>>) semaphore(%arg18 : memref<!tpu.dma_semaphore, #tpu.memory_space<semaphore_mem>>)
    %dma_start3A_27 = arith.constant 2 : i32
    %dma_start3A_28 = arith.constant 0 : i32
    %dma_start3A_29 = arith.constant 0 : i32
    %dma_start3A_30 = tpu.memref_slice %arg14[%dma_start3A_27, %dma_start3A_28, %dma_start3A_29] : memref<7x128x128xf32, #tpu.memory_space<vmem>> -> memref<1x128x128xf32, #tpu.memory_space<vmem>>
    %dma_start3A_31 = tpu.memref_squeeze %dma_start3A_30 : memref<1x128x128xf32, #tpu.memory_space<vmem>> -> memref<128x128xf32, #tpu.memory_space<vmem>>
    %dma_start3A_32 = arith.constant 256 : i32
    %dma_start3A_33 = tpu.memref_slice %arg12[%dma_start3A_32] : memref<512xi32, #tpu.memory_space<vmem>> -> memref<128xi32, #tpu.memory_space<vmem>>
    %dma_start3A_34 = arith.constant 0 : i32
    %dma_start3A_35 = arith.constant 0 : i32
    %dma_start3A_36 = tpu.memref_slice %arg4[%dma_start3A_34, %dma_start3A_35] : memref<100000x128xf32, #tpu.memory_space<hbm>> -> memref<100000x128xf32, #tpu.memory_space<hbm>>
    tpu.enqueue_indirect_dma source(%dma_start3A_36 : memref<100000x128xf32, #tpu.memory_space<hbm>>) target(%dma_start3A_31 : memref<128x128xf32, #tpu.memory_space<vmem>>) offsets(%dma_start3A_33 : memref<128xi32, #tpu.memory_space<vmem>>) semaphore(%arg19 : memref<!tpu.dma_semaphore, #tpu.memory_space<semaphore_mem>>)
    %dma_start3A_37 = arith.constant 3 : i32
    %dma_start3A_38 = arith.constant 0 : i32
    %dma_start3A_39 = arith.constant 0 : i32
    %dma_start3A_40 = tpu.memref_slice %arg14[%dma_start3A_37, %dma_start3A_38, %dma_start3A_39] : memref<7x128x128xf32, #tpu.memory_space<vmem>> -> memref<1x128x128xf32, #tpu.memory_space<vmem>>
    %dma_start3A_41 = tpu.memref_squeeze %dma_start3A_40 : memref<1x128x128xf32, #tpu.memory_space<vmem>> -> memref<128x128xf32, #tpu.memory_space<vmem>>
    %dma_start3A_42 = arith.constant 384 : i32
    %dma_start3A_43 = tpu.memref_slice %arg12[%dma_start3A_42] : memref<512xi32, #tpu.memory_space<vmem>> -> memref<128xi32, #tpu.memory_space<vmem>>
    %dma_start3A_44 = arith.constant 0 : i32
    %dma_start3A_45 = arith.constant 0 : i32
    %dma_start3A_46 = tpu.memref_slice %arg4[%dma_start3A_44, %dma_start3A_45] : memref<100000x128xf32, #tpu.memory_space<hbm>> -> memref<100000x128xf32, #tpu.memory_space<hbm>>
    tpu.enqueue_indirect_dma source(%dma_start3A_46 : memref<100000x128xf32, #tpu.memory_space<hbm>>) target(%dma_start3A_41 : memref<128x128xf32, #tpu.memory_space<vmem>>) offsets(%dma_start3A_43 : memref<128xi32, #tpu.memory_space<vmem>>) semaphore(%arg20 : memref<!tpu.dma_semaphore, #tpu.memory_space<semaphore_mem>>)
    %lt3A = arith.constant 16 : i32
    %lt3A_47 = arith.cmpi slt, %add3A, %lt3A : i32
    %convert_element_type3A = arith.extui %lt3A_47 : i1 to i32
    %cond3A = arith.constant 0 : i32
    %cond3A_48 = arith.cmpi ne, %convert_element_type3A, %cond3A : i32
    scf.if %cond3A_48 {
      %mul3A_457 = arith.constant 8 : i32
      %mul3A_458 = arith.muli %add3A, %mul3A_457 : i32
      %dma_start3A_459 = arith.constant 0 : i32
      %dma_start3A_460 = tpu.memref_slice %arg7[%mul3A_458, %dma_start3A_459] : memref<128x128xf32, #tpu.memory_space<hbm>> -> memref<8x128xf32, #tpu.memory_space<hbm>>
      %dma_start3A_461 = arith.constant 0 : i32
      %dma_start3A_462 = tpu.memref_slice %arg7[%mul3A_458, %dma_start3A_461] : memref<128x128xf32, #tpu.memory_space<hbm>> -> memref<8x128xf32, #tpu.memory_space<hbm>>
      tpu.enqueue_dma source(%dma_start3A_462 : memref<8x128xf32, #tpu.memory_space<hbm>>) target(%arg16 : memref<8x128xf32, #tpu.memory_space<vmem>>) target_semaphore(%arg27 : memref<!tpu.dma_semaphore, #tpu.memory_space<semaphore_mem>>)
    } else {
    }
    %dma_wait3A_49 = tpu.memref_slice %arg3[%mul3A_2] : memref<16384xi32, #tpu.memory_space<hbm>> -> memref<512xi32, #tpu.memory_space<hbm>>
    %dma_wait3A_50 = tpu.memref_slice %arg3[%mul3A_2] : memref<16384xi32, #tpu.memory_space<hbm>> -> memref<512xi32, #tpu.memory_space<hbm>>
    tpu.wait_dma2 semaphore(%arg26 : memref<!tpu.dma_semaphore, #tpu.memory_space<semaphore_mem>>) src(%dma_wait3A_50 : memref<512xi32, #tpu.memory_space<hbm>>) dst(%arg13 : memref<512xi32, #tpu.memory_space<vmem>>)
    %dma_start3A_51 = arith.constant 4 : i32
    %dma_start3A_52 = arith.constant 0 : i32
    %dma_start3A_53 = arith.constant 0 : i32
    %dma_start3A_54 = tpu.memref_slice %arg14[%dma_start3A_51, %dma_start3A_52, %dma_start3A_53] : memref<7x128x128xf32, #tpu.memory_space<vmem>> -> memref<1x128x128xf32, #tpu.memory_space<vmem>>
    %dma_start3A_55 = tpu.memref_squeeze %dma_start3A_54 : memref<1x128x128xf32, #tpu.memory_space<vmem>> -> memref<128x128xf32, #tpu.memory_space<vmem>>
    %dma_start3A_56 = arith.constant 0 : i32
    %dma_start3A_57 = tpu.memref_slice %arg13[%dma_start3A_56] : memref<512xi32, #tpu.memory_space<vmem>> -> memref<128xi32, #tpu.memory_space<vmem>>
    %dma_start3A_58 = arith.constant 0 : i32
    %dma_start3A_59 = arith.constant 0 : i32
    %dma_start3A_60 = tpu.memref_slice %arg5[%dma_start3A_58, %dma_start3A_59] : memref<100000x128xf32, #tpu.memory_space<hbm>> -> memref<100000x128xf32, #tpu.memory_space<hbm>>
    tpu.enqueue_indirect_dma source(%dma_start3A_60 : memref<100000x128xf32, #tpu.memory_space<hbm>>) target(%dma_start3A_55 : memref<128x128xf32, #tpu.memory_space<vmem>>) offsets(%dma_start3A_57 : memref<128xi32, #tpu.memory_space<vmem>>) semaphore(%arg21 : memref<!tpu.dma_semaphore, #tpu.memory_space<semaphore_mem>>)
    %dma_start3A_61 = arith.constant 5 : i32
    %dma_start3A_62 = arith.constant 0 : i32
    %dma_start3A_63 = arith.constant 0 : i32
    %dma_start3A_64 = tpu.memref_slice %arg14[%dma_start3A_61, %dma_start3A_62, %dma_start3A_63] : memref<7x128x128xf32, #tpu.memory_space<vmem>> -> memref<1x128x128xf32, #tpu.memory_space<vmem>>
    %dma_start3A_65 = tpu.memref_squeeze %dma_start3A_64 : memref<1x128x128xf32, #tpu.memory_space<vmem>> -> memref<128x128xf32, #tpu.memory_space<vmem>>
    %dma_start3A_66 = arith.constant 128 : i32
    %dma_start3A_67 = tpu.memref_slice %arg13[%dma_start3A_66] : memref<512xi32, #tpu.memory_space<vmem>> -> memref<128xi32, #tpu.memory_space<vmem>>
    %dma_start3A_68 = arith.constant 0 : i32
    %dma_start3A_69 = arith.constant 0 : i32
    %dma_start3A_70 = tpu.memref_slice %arg5[%dma_start3A_68, %dma_start3A_69] : memref<100000x128xf32, #tpu.memory_space<hbm>> -> memref<100000x128xf32, #tpu.memory_space<hbm>>
    tpu.enqueue_indirect_dma source(%dma_start3A_70 : memref<100000x128xf32, #tpu.memory_space<hbm>>) target(%dma_start3A_65 : memref<128x128xf32, #tpu.memory_space<vmem>>) offsets(%dma_start3A_67 : memref<128xi32, #tpu.memory_space<vmem>>) semaphore(%arg22 : memref<!tpu.dma_semaphore, #tpu.memory_space<semaphore_mem>>)
    %dma_start3A_71 = arith.constant 6 : i32
    %dma_start3A_72 = arith.constant 0 : i32
    %dma_start3A_73 = arith.constant 0 : i32
    %dma_start3A_74 = tpu.memref_slice %arg14[%dma_start3A_71, %dma_start3A_72, %dma_start3A_73] : memref<7x128x128xf32, #tpu.memory_space<vmem>> -> memref<1x128x128xf32, #tpu.memory_space<vmem>>
    %dma_start3A_75 = tpu.memref_squeeze %dma_start3A_74 : memref<1x128x128xf32, #tpu.memory_space<vmem>> -> memref<128x128xf32, #tpu.memory_space<vmem>>
    %dma_start3A_76 = arith.constant 256 : i32
    %dma_start3A_77 = tpu.memref_slice %arg13[%dma_start3A_76] : memref<512xi32, #tpu.memory_space<vmem>> -> memref<128xi32, #tpu.memory_space<vmem>>
    %dma_start3A_78 = arith.constant 0 : i32
    %dma_start3A_79 = arith.constant 0 : i32
    %dma_start3A_80 = tpu.memref_slice %arg5[%dma_start3A_78, %dma_start3A_79] : memref<100000x128xf32, #tpu.memory_space<hbm>> -> memref<100000x128xf32, #tpu.memory_space<hbm>>
    tpu.enqueue_indirect_dma source(%dma_start3A_80 : memref<100000x128xf32, #tpu.memory_space<hbm>>) target(%dma_start3A_75 : memref<128x128xf32, #tpu.memory_space<vmem>>) offsets(%dma_start3A_77 : memref<128xi32, #tpu.memory_space<vmem>>) semaphore(%arg23 : memref<!tpu.dma_semaphore, #tpu.memory_space<semaphore_mem>>)
    %dma_start3A_81 = arith.constant 0 : i32
    %dma_start3A_82 = tpu.memref_slice %arg15[%dma_start3A_81] : memref<512xf32, #tpu.memory_space<vmem>> -> memref<128xf32, #tpu.memory_space<vmem>>
    %dma_start3A_83 = arith.constant 0 : i32
    %dma_start3A_84 = tpu.memref_slice %arg13[%dma_start3A_83] : memref<512xi32, #tpu.memory_space<vmem>> -> memref<128xi32, #tpu.memory_space<vmem>>
    %dma_start3A_85 = arith.constant 0 : i32
    %dma_start3A_86 = tpu.memref_slice %arg6[%dma_start3A_85] : memref<100000xf32, #tpu.memory_space<hbm>> -> memref<100000xf32, #tpu.memory_space<hbm>>
    tpu.enqueue_indirect_dma source(%dma_start3A_86 : memref<100000xf32, #tpu.memory_space<hbm>>) target(%dma_start3A_82 : memref<128xf32, #tpu.memory_space<vmem>>) offsets(%dma_start3A_84 : memref<128xi32, #tpu.memory_space<vmem>>) semaphore(%arg24 : memref<!tpu.dma_semaphore, #tpu.memory_space<semaphore_mem>>)
    %dma_start3A_87 = arith.constant 128 : i32
    %dma_start3A_88 = tpu.memref_slice %arg15[%dma_start3A_87] : memref<512xf32, #tpu.memory_space<vmem>> -> memref<128xf32, #tpu.memory_space<vmem>>
    %dma_start3A_89 = arith.constant 128 : i32
    %dma_start3A_90 = tpu.memref_slice %arg13[%dma_start3A_89] : memref<512xi32, #tpu.memory_space<vmem>> -> memref<128xi32, #tpu.memory_space<vmem>>
    %dma_start3A_91 = arith.constant 0 : i32
    %dma_start3A_92 = tpu.memref_slice %arg6[%dma_start3A_91] : memref<100000xf32, #tpu.memory_space<hbm>> -> memref<100000xf32, #tpu.memory_space<hbm>>
    tpu.enqueue_indirect_dma source(%dma_start3A_92 : memref<100000xf32, #tpu.memory_space<hbm>>) target(%dma_start3A_88 : memref<128xf32, #tpu.memory_space<vmem>>) offsets(%dma_start3A_90 : memref<128xi32, #tpu.memory_space<vmem>>) semaphore(%arg24 : memref<!tpu.dma_semaphore, #tpu.memory_space<semaphore_mem>>)
    %dma_start3A_93 = arith.constant 256 : i32
    %dma_start3A_94 = tpu.memref_slice %arg15[%dma_start3A_93] : memref<512xf32, #tpu.memory_space<vmem>> -> memref<128xf32, #tpu.memory_space<vmem>>
    %dma_start3A_95 = arith.constant 256 : i32
    %dma_start3A_96 = tpu.memref_slice %arg13[%dma_start3A_95] : memref<512xi32, #tpu.memory_space<vmem>> -> memref<128xi32, #tpu.memory_space<vmem>>
    %dma_start3A_97 = arith.constant 0 : i32
    %dma_start3A_98 = tpu.memref_slice %arg6[%dma_start3A_97] : memref<100000xf32, #tpu.memory_space<hbm>> -> memref<100000xf32, #tpu.memory_space<hbm>>
    tpu.enqueue_indirect_dma source(%dma_start3A_98 : memref<100000xf32, #tpu.memory_space<hbm>>) target(%dma_start3A_94 : memref<128xf32, #tpu.memory_space<vmem>>) offsets(%dma_start3A_96 : memref<128xi32, #tpu.memory_space<vmem>>) semaphore(%arg24 : memref<!tpu.dma_semaphore, #tpu.memory_space<semaphore_mem>>)
    %dma_start3A_99 = arith.constant 384 : i32
    %dma_start3A_100 = tpu.memref_slice %arg15[%dma_start3A_99] : memref<512xf32, #tpu.memory_space<vmem>> -> memref<128xf32, #tpu.memory_space<vmem>>
    %dma_start3A_101 = arith.constant 384 : i32
    %dma_start3A_102 = tpu.memref_slice %arg13[%dma_start3A_101] : memref<512xi32, #tpu.memory_space<vmem>> -> memref<128xi32, #tpu.memory_space<vmem>>
    %dma_start3A_103 = arith.constant 0 : i32
    %dma_start3A_104 = tpu.memref_slice %arg6[%dma_start3A_103] : memref<100000xf32, #tpu.memory_space<hbm>> -> memref<100000xf32, #tpu.memory_space<hbm>>
    tpu.enqueue_indirect_dma source(%dma_start3A_104 : memref<100000xf32, #tpu.memory_space<hbm>>) target(%dma_start3A_100 : memref<128xf32, #tpu.memory_space<vmem>>) offsets(%dma_start3A_102 : memref<128xi32, #tpu.memory_space<vmem>>) semaphore(%arg24 : memref<!tpu.dma_semaphore, #tpu.memory_space<semaphore_mem>>)
    %dma_wait3A_105 = arith.constant 0 : i32
    %dma_wait3A_106 = arith.constant 0 : i32
    %dma_wait3A_107 = arith.constant 0 : i32
    %dma_wait3A_108 = tpu.memref_slice %arg14[%dma_wait3A_105, %dma_wait3A_106, %dma_wait3A_107] : memref<7x128x128xf32, #tpu.memory_space<vmem>> -> memref<1x128x128xf32, #tpu.memory_space<vmem>>
    %dma_wait3A_109 = tpu.memref_squeeze %dma_wait3A_108 : memref<1x128x128xf32, #tpu.memory_space<vmem>> -> memref<128x128xf32, #tpu.memory_space<vmem>>
    %dma_wait3A_110 = arith.constant 0 : i32
    %dma_wait3A_111 = tpu.memref_slice %arg12[%dma_wait3A_110] : memref<512xi32, #tpu.memory_space<vmem>> -> memref<128xi32, #tpu.memory_space<vmem>>
    %dma_wait3A_112 = arith.constant 0 : i32
    %dma_wait3A_113 = arith.constant 0 : i32
    %dma_wait3A_114 = tpu.memref_slice %arg4[%dma_wait3A_112, %dma_wait3A_113] : memref<100000x128xf32, #tpu.memory_space<hbm>> -> memref<100000x128xf32, #tpu.memory_space<hbm>>
    tpu.wait_indirect_dma semaphore(%arg17 : memref<!tpu.dma_semaphore, #tpu.memory_space<semaphore_mem>>) src(%dma_wait3A_114 : memref<100000x128xf32, #tpu.memory_space<hbm>>) dst(%dma_wait3A_109 : memref<128x128xf32, #tpu.memory_space<vmem>>)
    %add3A_115 = arith.constant 0 : i32
    %add3A_116 = arith.addi %mul3A_2, %add3A_115 : i32
    %dma_start3A_117 = arith.constant 0 : i32
    %dma_start3A_118 = arith.constant 0 : i32
    %dma_start3A_119 = arith.constant 0 : i32
    %dma_start3A_120 = tpu.memref_slice %arg14[%dma_start3A_117, %dma_start3A_118, %dma_start3A_119] : memref<7x128x128xf32, #tpu.memory_space<vmem>> -> memref<1x128x128xf32, #tpu.memory_space<vmem>>
    %dma_start3A_121 = tpu.memref_squeeze %dma_start3A_120 : memref<1x128x128xf32, #tpu.memory_space<vmem>> -> memref<128x128xf32, #tpu.memory_space<vmem>>
    %dma_start3A_122 = arith.constant 0 : i32
    %dma_start3A_123 = tpu.memref_slice %arg8[%add3A_116, %dma_start3A_122] : memref<16384x128xf32, #tpu.memory_space<hbm>> -> memref<128x128xf32, #tpu.memory_space<hbm>>
    %dma_start3A_124 = arith.constant 0 : i32
    %dma_start3A_125 = tpu.memref_slice %arg8[%add3A_116, %dma_start3A_124] : memref<16384x128xf32, #tpu.memory_space<hbm>> -> memref<128x128xf32, #tpu.memory_space<hbm>>
    %dma_start3A_126 = arith.constant 0 : i32
    %dma_start3A_127 = arith.constant 0 : i32
    %dma_start3A_128 = tpu.memref_slice %arg14[%dma_start3A_117, %dma_start3A_126, %dma_start3A_127] : memref<7x128x128xf32, #tpu.memory_space<vmem>> -> memref<1x128x128xf32, #tpu.memory_space<vmem>>
    %dma_start3A_129 = tpu.memref_squeeze %dma_start3A_128 : memref<1x128x128xf32, #tpu.memory_space<vmem>> -> memref<128x128xf32, #tpu.memory_space<vmem>>
    tpu.enqueue_dma source(%dma_start3A_129 : memref<128x128xf32, #tpu.memory_space<vmem>>) target(%dma_start3A_125 : memref<128x128xf32, #tpu.memory_space<hbm>>) target_semaphore(%arg17 : memref<!tpu.dma_semaphore, #tpu.memory_space<semaphore_mem>>)
    %dma_wait3A_130 = arith.constant 0 : i32
    %dma_wait3A_131 = arith.constant 0 : i32
    %dma_wait3A_132 = arith.constant 0 : i32
    %dma_wait3A_133 = tpu.memref_slice %arg14[%dma_wait3A_130, %dma_wait3A_131, %dma_wait3A_132] : memref<7x128x128xf32, #tpu.memory_space<vmem>> -> memref<1x128x128xf32, #tpu.memory_space<vmem>>
    %dma_wait3A_134 = tpu.memref_squeeze %dma_wait3A_133 : memref<1x128x128xf32, #tpu.memory_space<vmem>> -> memref<128x128xf32, #tpu.memory_space<vmem>>
    %dma_wait3A_135 = arith.constant 0 : i32
    %dma_wait3A_136 = tpu.memref_slice %arg8[%add3A_116, %dma_wait3A_135] : memref<16384x128xf32, #tpu.memory_space<hbm>> -> memref<128x128xf32, #tpu.memory_space<hbm>>
    %dma_wait3A_137 = arith.constant 0 : i32
    %dma_wait3A_138 = tpu.memref_slice %arg8[%add3A_116, %dma_wait3A_137] : memref<16384x128xf32, #tpu.memory_space<hbm>> -> memref<128x128xf32, #tpu.memory_space<hbm>>
    %dma_wait3A_139 = arith.constant 0 : i32
    %dma_wait3A_140 = arith.constant 0 : i32
    %dma_wait3A_141 = tpu.memref_slice %arg14[%dma_wait3A_130, %dma_wait3A_139, %dma_wait3A_140] : memref<7x128x128xf32, #tpu.memory_space<vmem>> -> memref<1x128x128xf32, #tpu.memory_space<vmem>>
    %dma_wait3A_142 = tpu.memref_squeeze %dma_wait3A_141 : memref<1x128x128xf32, #tpu.memory_space<vmem>> -> memref<128x128xf32, #tpu.memory_space<vmem>>
    tpu.wait_dma2 semaphore(%arg17 : memref<!tpu.dma_semaphore, #tpu.memory_space<semaphore_mem>>) src(%dma_wait3A_142 : memref<128x128xf32, #tpu.memory_space<vmem>>) dst(%dma_wait3A_138 : memref<128x128xf32, #tpu.memory_space<hbm>>)
    %dma_start3A_143 = arith.constant 0 : i32
    %dma_start3A_144 = arith.constant 0 : i32
    %dma_start3A_145 = arith.constant 0 : i32
    %dma_start3A_146 = tpu.memref_slice %arg14[%dma_start3A_143, %dma_start3A_144, %dma_start3A_145] : memref<7x128x128xf32, #tpu.memory_space<vmem>> -> memref<1x128x128xf32, #tpu.memory_space<vmem>>
    %dma_start3A_147 = tpu.memref_squeeze %dma_start3A_146 : memref<1x128x128xf32, #tpu.memory_space<vmem>> -> memref<128x128xf32, #tpu.memory_space<vmem>>
    %dma_start3A_148 = arith.constant 384 : i32
    %dma_start3A_149 = tpu.memref_slice %arg13[%dma_start3A_148] : memref<512xi32, #tpu.memory_space<vmem>> -> memref<128xi32, #tpu.memory_space<vmem>>
    %dma_start3A_150 = arith.constant 0 : i32
    %dma_start3A_151 = arith.constant 0 : i32
    %dma_start3A_152 = tpu.memref_slice %arg5[%dma_start3A_150, %dma_start3A_151] : memref<100000x128xf32, #tpu.memory_space<hbm>> -> memref<100000x128xf32, #tpu.memory_space<hbm>>
    tpu.enqueue_indirect_dma source(%dma_start3A_152 : memref<100000x128xf32, #tpu.memory_space<hbm>>) target(%dma_start3A_147 : memref<128x128xf32, #tpu.memory_space<vmem>>) offsets(%dma_start3A_149 : memref<128xi32, #tpu.memory_space<vmem>>) semaphore(%arg17 : memref<!tpu.dma_semaphore, #tpu.memory_space<semaphore_mem>>)
    %dma_wait3A_153 = arith.constant 1 : i32
    %dma_wait3A_154 = arith.constant 0 : i32
    %dma_wait3A_155 = arith.constant 0 : i32
    %dma_wait3A_156 = tpu.memref_slice %arg14[%dma_wait3A_153, %dma_wait3A_154, %dma_wait3A_155] : memref<7x128x128xf32, #tpu.memory_space<vmem>> -> memref<1x128x128xf32, #tpu.memory_space<vmem>>
    %dma_wait3A_157 = tpu.memref_squeeze %dma_wait3A_156 : memref<1x128x128xf32, #tpu.memory_space<vmem>> -> memref<128x128xf32, #tpu.memory_space<vmem>>
    %dma_wait3A_158 = arith.constant 128 : i32
    %dma_wait3A_159 = tpu.memref_slice %arg12[%dma_wait3A_158] : memref<512xi32, #tpu.memory_space<vmem>> -> memref<128xi32, #tpu.memory_space<vmem>>
    %dma_wait3A_160 = arith.constant 0 : i32
    %dma_wait3A_161 = arith.constant 0 : i32
    %dma_wait3A_162 = tpu.memref_slice %arg4[%dma_wait3A_160, %dma_wait3A_161] : memref<100000x128xf32, #tpu.memory_space<hbm>> -> memref<100000x128xf32, #tpu.memory_space<hbm>>
    tpu.wait_indirect_dma semaphore(%arg18 : memref<!tpu.dma_semaphore, #tpu.memory_space<semaphore_mem>>) src(%dma_wait3A_162 : memref<100000x128xf32, #tpu.memory_space<hbm>>) dst(%dma_wait3A_157 : memref<128x128xf32, #tpu.memory_space<vmem>>)
    %add3A_163 = arith.constant 128 : i32
    %add3A_164 = arith.addi %mul3A_2, %add3A_163 : i32
    %dma_start3A_165 = arith.constant 1 : i32
    %dma_start3A_166 = arith.constant 0 : i32
    %dma_start3A_167 = arith.constant 0 : i32
    %dma_start3A_168 = tpu.memref_slice %arg14[%dma_start3A_165, %dma_start3A_166, %dma_start3A_167] : memref<7x128x128xf32, #tpu.memory_space<vmem>> -> memref<1x128x128xf32, #tpu.memory_space<vmem>>
    %dma_start3A_169 = tpu.memref_squeeze %dma_start3A_168 : memref<1x128x128xf32, #tpu.memory_space<vmem>> -> memref<128x128xf32, #tpu.memory_space<vmem>>
    %dma_start3A_170 = arith.constant 0 : i32
    %dma_start3A_171 = tpu.memref_slice %arg8[%add3A_164, %dma_start3A_170] : memref<16384x128xf32, #tpu.memory_space<hbm>> -> memref<128x128xf32, #tpu.memory_space<hbm>>
    %dma_start3A_172 = arith.constant 0 : i32
    %dma_start3A_173 = tpu.memref_slice %arg8[%add3A_164, %dma_start3A_172] : memref<16384x128xf32, #tpu.memory_space<hbm>> -> memref<128x128xf32, #tpu.memory_space<hbm>>
    %dma_start3A_174 = arith.constant 0 : i32
    %dma_start3A_175 = arith.constant 0 : i32
    %dma_start3A_176 = tpu.memref_slice %arg14[%dma_start3A_165, %dma_start3A_174, %dma_start3A_175] : memref<7x128x128xf32, #tpu.memory_space<vmem>> -> memref<1x128x128xf32, #tpu.memory_space<vmem>>
    %dma_start3A_177 = tpu.memref_squeeze %dma_start3A_176 : memref<1x128x128xf32, #tpu.memory_space<vmem>> -> memref<128x128xf32, #tpu.memory_space<vmem>>
    tpu.enqueue_dma source(%dma_start3A_177 : memref<128x128xf32, #tpu.memory_space<vmem>>) target(%dma_start3A_173 : memref<128x128xf32, #tpu.memory_space<hbm>>) target_semaphore(%arg18 : memref<!tpu.dma_semaphore, #tpu.memory_space<semaphore_mem>>)
    %dma_wait3A_178 = arith.constant 2 : i32
    %dma_wait3A_179 = arith.constant 0 : i32
    %dma_wait3A_180 = arith.constant 0 : i32
    %dma_wait3A_181 = tpu.memref_slice %arg14[%dma_wait3A_178, %dma_wait3A_179, %dma_wait3A_180] : memref<7x128x128xf32, #tpu.memory_space<vmem>> -> memref<1x128x128xf32, #tpu.memory_space<vmem>>
    %dma_wait3A_182 = tpu.memref_squeeze %dma_wait3A_181 : memref<1x128x128xf32, #tpu.memory_space<vmem>> -> memref<128x128xf32, #tpu.memory_space<vmem>>
    %dma_wait3A_183 = arith.constant 256 : i32
    %dma_wait3A_184 = tpu.memref_slice %arg12[%dma_wait3A_183] : memref<512xi32, #tpu.memory_space<vmem>> -> memref<128xi32, #tpu.memory_space<vmem>>
    %dma_wait3A_185 = arith.constant 0 : i32
    %dma_wait3A_186 = arith.constant 0 : i32
    %dma_wait3A_187 = tpu.memref_slice %arg4[%dma_wait3A_185, %dma_wait3A_186] : memref<100000x128xf32, #tpu.memory_space<hbm>> -> memref<100000x128xf32, #tpu.memory_space<hbm>>
    tpu.wait_indirect_dma semaphore(%arg19 : memref<!tpu.dma_semaphore, #tpu.memory_space<semaphore_mem>>) src(%dma_wait3A_187 : memref<100000x128xf32, #tpu.memory_space<hbm>>) dst(%dma_wait3A_182 : memref<128x128xf32, #tpu.memory_space<vmem>>)
    %add3A_188 = arith.constant 256 : i32
    %add3A_189 = arith.addi %mul3A_2, %add3A_188 : i32
    %dma_start3A_190 = arith.constant 2 : i32
    %dma_start3A_191 = arith.constant 0 : i32
    %dma_start3A_192 = arith.constant 0 : i32
    %dma_start3A_193 = tpu.memref_slice %arg14[%dma_start3A_190, %dma_start3A_191, %dma_start3A_192] : memref<7x128x128xf32, #tpu.memory_space<vmem>> -> memref<1x128x128xf32, #tpu.memory_space<vmem>>
    %dma_start3A_194 = tpu.memref_squeeze %dma_start3A_193 : memref<1x128x128xf32, #tpu.memory_space<vmem>> -> memref<128x128xf32, #tpu.memory_space<vmem>>
    %dma_start3A_195 = arith.constant 0 : i32
    %dma_start3A_196 = tpu.memref_slice %arg8[%add3A_189, %dma_start3A_195] : memref<16384x128xf32, #tpu.memory_space<hbm>> -> memref<128x128xf32, #tpu.memory_space<hbm>>
    %dma_start3A_197 = arith.constant 0 : i32
    %dma_start3A_198 = tpu.memref_slice %arg8[%add3A_189, %dma_start3A_197] : memref<16384x128xf32, #tpu.memory_space<hbm>> -> memref<128x128xf32, #tpu.memory_space<hbm>>
    %dma_start3A_199 = arith.constant 0 : i32
    %dma_start3A_200 = arith.constant 0 : i32
    %dma_start3A_201 = tpu.memref_slice %arg14[%dma_start3A_190, %dma_start3A_199, %dma_start3A_200] : memref<7x128x128xf32, #tpu.memory_space<vmem>> -> memref<1x128x128xf32, #tpu.memory_space<vmem>>
    %dma_start3A_202 = tpu.memref_squeeze %dma_start3A_201 : memref<1x128x128xf32, #tpu.memory_space<vmem>> -> memref<128x128xf32, #tpu.memory_space<vmem>>
    tpu.enqueue_dma source(%dma_start3A_202 : memref<128x128xf32, #tpu.memory_space<vmem>>) target(%dma_start3A_198 : memref<128x128xf32, #tpu.memory_space<hbm>>) target_semaphore(%arg19 : memref<!tpu.dma_semaphore, #tpu.memory_space<semaphore_mem>>)
    %dma_wait3A_203 = arith.constant 3 : i32
    %dma_wait3A_204 = arith.constant 0 : i32
    %dma_wait3A_205 = arith.constant 0 : i32
    %dma_wait3A_206 = tpu.memref_slice %arg14[%dma_wait3A_203, %dma_wait3A_204, %dma_wait3A_205] : memref<7x128x128xf32, #tpu.memory_space<vmem>> -> memref<1x128x128xf32, #tpu.memory_space<vmem>>
    %dma_wait3A_207 = tpu.memref_squeeze %dma_wait3A_206 : memref<1x128x128xf32, #tpu.memory_space<vmem>> -> memref<128x128xf32, #tpu.memory_space<vmem>>
    %dma_wait3A_208 = arith.constant 384 : i32
    %dma_wait3A_209 = tpu.memref_slice %arg12[%dma_wait3A_208] : memref<512xi32, #tpu.memory_space<vmem>> -> memref<128xi32, #tpu.memory_space<vmem>>
    %dma_wait3A_210 = arith.constant 0 : i32
    %dma_wait3A_211 = arith.constant 0 : i32
    %dma_wait3A_212 = tpu.memref_slice %arg4[%dma_wait3A_210, %dma_wait3A_211] : memref<100000x128xf32, #tpu.memory_space<hbm>> -> memref<100000x128xf32, #tpu.memory_space<hbm>>
    tpu.wait_indirect_dma semaphore(%arg20 : memref<!tpu.dma_semaphore, #tpu.memory_space<semaphore_mem>>) src(%dma_wait3A_212 : memref<100000x128xf32, #tpu.memory_space<hbm>>) dst(%dma_wait3A_207 : memref<128x128xf32, #tpu.memory_space<vmem>>)
    %add3A_213 = arith.constant 384 : i32
    %add3A_214 = arith.addi %mul3A_2, %add3A_213 : i32
    %dma_start3A_215 = arith.constant 3 : i32
    %dma_start3A_216 = arith.constant 0 : i32
    %dma_start3A_217 = arith.constant 0 : i32
    %dma_start3A_218 = tpu.memref_slice %arg14[%dma_start3A_215, %dma_start3A_216, %dma_start3A_217] : memref<7x128x128xf32, #tpu.memory_space<vmem>> -> memref<1x128x128xf32, #tpu.memory_space<vmem>>
    %dma_start3A_219 = tpu.memref_squeeze %dma_start3A_218 : memref<1x128x128xf32, #tpu.memory_space<vmem>> -> memref<128x128xf32, #tpu.memory_space<vmem>>
    %dma_start3A_220 = arith.constant 0 : i32
    %dma_start3A_221 = tpu.memref_slice %arg8[%add3A_214, %dma_start3A_220] : memref<16384x128xf32, #tpu.memory_space<hbm>> -> memref<128x128xf32, #tpu.memory_space<hbm>>
    %dma_start3A_222 = arith.constant 0 : i32
    %dma_start3A_223 = tpu.memref_slice %arg8[%add3A_214, %dma_start3A_222] : memref<16384x128xf32, #tpu.memory_space<hbm>> -> memref<128x128xf32, #tpu.memory_space<hbm>>
    %dma_start3A_224 = arith.constant 0 : i32
    %dma_start3A_225 = arith.constant 0 : i32
    %dma_start3A_226 = tpu.memref_slice %arg14[%dma_start3A_215, %dma_start3A_224, %dma_start3A_225] : memref<7x128x128xf32, #tpu.memory_space<vmem>> -> memref<1x128x128xf32, #tpu.memory_space<vmem>>
    %dma_start3A_227 = tpu.memref_squeeze %dma_start3A_226 : memref<1x128x128xf32, #tpu.memory_space<vmem>> -> memref<128x128xf32, #tpu.memory_space<vmem>>
    tpu.enqueue_dma source(%dma_start3A_227 : memref<128x128xf32, #tpu.memory_space<vmem>>) target(%dma_start3A_223 : memref<128x128xf32, #tpu.memory_space<hbm>>) target_semaphore(%arg20 : memref<!tpu.dma_semaphore, #tpu.memory_space<semaphore_mem>>)
    %dma_wait3A_228 = arith.constant 4 : i32
    %dma_wait3A_229 = arith.constant 0 : i32
    %dma_wait3A_230 = arith.constant 0 : i32
    %dma_wait3A_231 = tpu.memref_slice %arg14[%dma_wait3A_228, %dma_wait3A_229, %dma_wait3A_230] : memref<7x128x128xf32, #tpu.memory_space<vmem>> -> memref<1x128x128xf32, #tpu.memory_space<vmem>>
    %dma_wait3A_232 = tpu.memref_squeeze %dma_wait3A_231 : memref<1x128x128xf32, #tpu.memory_space<vmem>> -> memref<128x128xf32, #tpu.memory_space<vmem>>
    %dma_wait3A_233 = arith.constant 0 : i32
    %dma_wait3A_234 = tpu.memref_slice %arg13[%dma_wait3A_233] : memref<512xi32, #tpu.memory_space<vmem>> -> memref<128xi32, #tpu.memory_space<vmem>>
    %dma_wait3A_235 = arith.constant 0 : i32
    %dma_wait3A_236 = arith.constant 0 : i32
    %dma_wait3A_237 = tpu.memref_slice %arg5[%dma_wait3A_235, %dma_wait3A_236] : memref<100000x128xf32, #tpu.memory_space<hbm>> -> memref<100000x128xf32, #tpu.memory_space<hbm>>
    tpu.wait_indirect_dma semaphore(%arg21 : memref<!tpu.dma_semaphore, #tpu.memory_space<semaphore_mem>>) src(%dma_wait3A_237 : memref<100000x128xf32, #tpu.memory_space<hbm>>) dst(%dma_wait3A_232 : memref<128x128xf32, #tpu.memory_space<vmem>>)
    %add3A_238 = arith.constant 0 : i32
    %add3A_239 = arith.addi %mul3A_2, %add3A_238 : i32
    %dma_start3A_240 = arith.constant 4 : i32
    %dma_start3A_241 = arith.constant 0 : i32
    %dma_start3A_242 = arith.constant 0 : i32
    %dma_start3A_243 = tpu.memref_slice %arg14[%dma_start3A_240, %dma_start3A_241, %dma_start3A_242] : memref<7x128x128xf32, #tpu.memory_space<vmem>> -> memref<1x128x128xf32, #tpu.memory_space<vmem>>
    %dma_start3A_244 = tpu.memref_squeeze %dma_start3A_243 : memref<1x128x128xf32, #tpu.memory_space<vmem>> -> memref<128x128xf32, #tpu.memory_space<vmem>>
    %dma_start3A_245 = arith.constant 0 : i32
    %dma_start3A_246 = tpu.memref_slice %arg9[%add3A_239, %dma_start3A_245] : memref<16384x128xf32, #tpu.memory_space<hbm>> -> memref<128x128xf32, #tpu.memory_space<hbm>>
    %dma_start3A_247 = arith.constant 0 : i32
    %dma_start3A_248 = tpu.memref_slice %arg9[%add3A_239, %dma_start3A_247] : memref<16384x128xf32, #tpu.memory_space<hbm>> -> memref<128x128xf32, #tpu.memory_space<hbm>>
    %dma_start3A_249 = arith.constant 0 : i32
    %dma_start3A_250 = arith.constant 0 : i32
    %dma_start3A_251 = tpu.memref_slice %arg14[%dma_start3A_240, %dma_start3A_249, %dma_start3A_250] : memref<7x128x128xf32, #tpu.memory_space<vmem>> -> memref<1x128x128xf32, #tpu.memory_space<vmem>>
    %dma_start3A_252 = tpu.memref_squeeze %dma_start3A_251 : memref<1x128x128xf32, #tpu.memory_space<vmem>> -> memref<128x128xf32, #tpu.memory_space<vmem>>
    tpu.enqueue_dma source(%dma_start3A_252 : memref<128x128xf32, #tpu.memory_space<vmem>>) target(%dma_start3A_248 : memref<128x128xf32, #tpu.memory_space<hbm>>) target_semaphore(%arg21 : memref<!tpu.dma_semaphore, #tpu.memory_space<semaphore_mem>>)
    %dma_wait3A_253 = arith.constant 0 : i32
    %dma_wait3A_254 = tpu.memref_slice %arg15[%dma_wait3A_253] : memref<512xf32, #tpu.memory_space<vmem>> -> memref<128xf32, #tpu.memory_space<vmem>>
    %dma_wait3A_255 = arith.constant 0 : i32
    %dma_wait3A_256 = tpu.memref_slice %arg13[%dma_wait3A_255] : memref<512xi32, #tpu.memory_space<vmem>> -> memref<128xi32, #tpu.memory_space<vmem>>
    %dma_wait3A_257 = arith.constant 0 : i32
    %dma_wait3A_258 = tpu.memref_slice %arg6[%dma_wait3A_257] : memref<100000xf32, #tpu.memory_space<hbm>> -> memref<100000xf32, #tpu.memory_space<hbm>>
    tpu.wait_indirect_dma semaphore(%arg24 : memref<!tpu.dma_semaphore, #tpu.memory_space<semaphore_mem>>) src(%dma_wait3A_258 : memref<100000xf32, #tpu.memory_space<hbm>>) dst(%dma_wait3A_254 : memref<128xf32, #tpu.memory_space<vmem>>)
    %dma_wait3A_259 = arith.constant 128 : i32
    %dma_wait3A_260 = tpu.memref_slice %arg15[%dma_wait3A_259] : memref<512xf32, #tpu.memory_space<vmem>> -> memref<128xf32, #tpu.memory_space<vmem>>
    %dma_wait3A_261 = arith.constant 128 : i32
    %dma_wait3A_262 = tpu.memref_slice %arg13[%dma_wait3A_261] : memref<512xi32, #tpu.memory_space<vmem>> -> memref<128xi32, #tpu.memory_space<vmem>>
    %dma_wait3A_263 = arith.constant 0 : i32
    %dma_wait3A_264 = tpu.memref_slice %arg6[%dma_wait3A_263] : memref<100000xf32, #tpu.memory_space<hbm>> -> memref<100000xf32, #tpu.memory_space<hbm>>
    tpu.wait_indirect_dma semaphore(%arg24 : memref<!tpu.dma_semaphore, #tpu.memory_space<semaphore_mem>>) src(%dma_wait3A_264 : memref<100000xf32, #tpu.memory_space<hbm>>) dst(%dma_wait3A_260 : memref<128xf32, #tpu.memory_space<vmem>>)
    %dma_wait3A_265 = arith.constant 256 : i32
    %dma_wait3A_266 = tpu.memref_slice %arg15[%dma_wait3A_265] : memref<512xf32, #tpu.memory_space<vmem>> -> memref<128xf32, #tpu.memory_space<vmem>>
    %dma_wait3A_267 = arith.constant 256 : i32
    %dma_wait3A_268 = tpu.memref_slice %arg13[%dma_wait3A_267] : memref<512xi32, #tpu.memory_space<vmem>> -> memref<128xi32, #tpu.memory_space<vmem>>
    %dma_wait3A_269 = arith.constant 0 : i32
    %dma_wait3A_270 = tpu.memref_slice %arg6[%dma_wait3A_269] : memref<100000xf32, #tpu.memory_space<hbm>> -> memref<100000xf32, #tpu.memory_space<hbm>>
    tpu.wait_indirect_dma semaphore(%arg24 : memref<!tpu.dma_semaphore, #tpu.memory_space<semaphore_mem>>) src(%dma_wait3A_270 : memref<100000xf32, #tpu.memory_space<hbm>>) dst(%dma_wait3A_266 : memref<128xf32, #tpu.memory_space<vmem>>)
    %dma_wait3A_271 = arith.constant 384 : i32
    %dma_wait3A_272 = tpu.memref_slice %arg15[%dma_wait3A_271] : memref<512xf32, #tpu.memory_space<vmem>> -> memref<128xf32, #tpu.memory_space<vmem>>
    %dma_wait3A_273 = arith.constant 384 : i32
    %dma_wait3A_274 = tpu.memref_slice %arg13[%dma_wait3A_273] : memref<512xi32, #tpu.memory_space<vmem>> -> memref<128xi32, #tpu.memory_space<vmem>>
    %dma_wait3A_275 = arith.constant 0 : i32
    %dma_wait3A_276 = tpu.memref_slice %arg6[%dma_wait3A_275] : memref<100000xf32, #tpu.memory_space<hbm>> -> memref<100000xf32, #tpu.memory_space<hbm>>
    tpu.wait_indirect_dma semaphore(%arg24 : memref<!tpu.dma_semaphore, #tpu.memory_space<semaphore_mem>>) src(%dma_wait3A_276 : memref<100000xf32, #tpu.memory_space<hbm>>) dst(%dma_wait3A_272 : memref<128xf32, #tpu.memory_space<vmem>>)
    %dma_start3A_277 = tpu.memref_slice %arg10[%mul3A_2] : memref<16384xf32, #tpu.memory_space<hbm>> -> memref<512xf32, #tpu.memory_space<hbm>>
    %dma_start3A_278 = tpu.memref_slice %arg10[%mul3A_2] : memref<16384xf32, #tpu.memory_space<hbm>> -> memref<512xf32, #tpu.memory_space<hbm>>
    tpu.enqueue_dma source(%arg15 : memref<512xf32, #tpu.memory_space<vmem>>) target(%dma_start3A_278 : memref<512xf32, #tpu.memory_space<hbm>>) target_semaphore(%arg24 : memref<!tpu.dma_semaphore, #tpu.memory_space<semaphore_mem>>)
    %lt3A_279 = arith.constant 16 : i32
    %lt3A_280 = arith.cmpi slt, %add3A, %lt3A_279 : i32
    %convert_element_type3A_281 = arith.extui %lt3A_280 : i1 to i32
    %cond3A_282 = arith.constant 0 : i32
    %cond3A_283 = arith.cmpi ne, %convert_element_type3A_281, %cond3A_282 : i32
    scf.if %cond3A_283 {
      %mul3A_457 = arith.constant 8 : i32
      %mul3A_458 = arith.muli %add3A, %mul3A_457 : i32
      %dma_wait3A_459 = arith.constant 0 : i32
      %dma_wait3A_460 = tpu.memref_slice %arg7[%mul3A_458, %dma_wait3A_459] : memref<128x128xf32, #tpu.memory_space<hbm>> -> memref<8x128xf32, #tpu.memory_space<hbm>>
      %dma_wait3A_461 = arith.constant 0 : i32
      %dma_wait3A_462 = tpu.memref_slice %arg7[%mul3A_458, %dma_wait3A_461] : memref<128x128xf32, #tpu.memory_space<hbm>> -> memref<8x128xf32, #tpu.memory_space<hbm>>
      tpu.wait_dma2 semaphore(%arg27 : memref<!tpu.dma_semaphore, #tpu.memory_space<semaphore_mem>>) src(%dma_wait3A_462 : memref<8x128xf32, #tpu.memory_space<hbm>>) dst(%arg16 : memref<8x128xf32, #tpu.memory_space<vmem>>)
      %mul3A_463 = arith.constant 8 : i32
      %mul3A_464 = arith.muli %add3A, %mul3A_463 : i32
      %dma_start3A_465 = arith.constant 0 : i32
      %dma_start3A_466 = tpu.memref_slice %arg11[%mul3A_464, %dma_start3A_465] : memref<128x128xf32, #tpu.memory_space<hbm>> -> memref<8x128xf32, #tpu.memory_space<hbm>>
      %dma_start3A_467 = arith.constant 0 : i32
      %dma_start3A_468 = tpu.memref_slice %arg11[%mul3A_464, %dma_start3A_467] : memref<128x128xf32, #tpu.memory_space<hbm>> -> memref<8x128xf32, #tpu.memory_space<hbm>>
      tpu.enqueue_dma source(%arg16 : memref<8x128xf32, #tpu.memory_space<vmem>>) target(%dma_start3A_468 : memref<8x128xf32, #tpu.memory_space<hbm>>) target_semaphore(%arg27 : memref<!tpu.dma_semaphore, #tpu.memory_space<semaphore_mem>>)
    } else {
    }
    %dma_wait3A_284 = arith.constant 5 : i32
    %dma_wait3A_285 = arith.constant 0 : i32
    %dma_wait3A_286 = arith.constant 0 : i32
    %dma_wait3A_287 = tpu.memref_slice %arg14[%dma_wait3A_284, %dma_wait3A_285, %dma_wait3A_286] : memref<7x128x128xf32, #tpu.memory_space<vmem>> -> memref<1x128x128xf32, #tpu.memory_space<vmem>>
    %dma_wait3A_288 = tpu.memref_squeeze %dma_wait3A_287 : memref<1x128x128xf32, #tpu.memory_space<vmem>> -> memref<128x128xf32, #tpu.memory_space<vmem>>
    %dma_wait3A_289 = arith.constant 128 : i32
    %dma_wait3A_290 = tpu.memref_slice %arg13[%dma_wait3A_289] : memref<512xi32, #tpu.memory_space<vmem>> -> memref<128xi32, #tpu.memory_space<vmem>>
    %dma_wait3A_291 = arith.constant 0 : i32
    %dma_wait3A_292 = arith.constant 0 : i32
    %dma_wait3A_293 = tpu.memref_slice %arg5[%dma_wait3A_291, %dma_wait3A_292] : memref<100000x128xf32, #tpu.memory_space<hbm>> -> memref<100000x128xf32, #tpu.memory_space<hbm>>
    tpu.wait_indirect_dma semaphore(%arg22 : memref<!tpu.dma_semaphore, #tpu.memory_space<semaphore_mem>>) src(%dma_wait3A_293 : memref<100000x128xf32, #tpu.memory_space<hbm>>) dst(%dma_wait3A_288 : memref<128x128xf32, #tpu.memory_space<vmem>>)
    %add3A_294 = arith.constant 128 : i32
    %add3A_295 = arith.addi %mul3A_2, %add3A_294 : i32
    %dma_start3A_296 = arith.constant 5 : i32
    %dma_start3A_297 = arith.constant 0 : i32
    %dma_start3A_298 = arith.constant 0 : i32
    %dma_start3A_299 = tpu.memref_slice %arg14[%dma_start3A_296, %dma_start3A_297, %dma_start3A_298] : memref<7x128x128xf32, #tpu.memory_space<vmem>> -> memref<1x128x128xf32, #tpu.memory_space<vmem>>
    %dma_start3A_300 = tpu.memref_squeeze %dma_start3A_299 : memref<1x128x128xf32, #tpu.memory_space<vmem>> -> memref<128x128xf32, #tpu.memory_space<vmem>>
    %dma_start3A_301 = arith.constant 0 : i32
    %dma_start3A_302 = tpu.memref_slice %arg9[%add3A_295, %dma_start3A_301] : memref<16384x128xf32, #tpu.memory_space<hbm>> -> memref<128x128xf32, #tpu.memory_space<hbm>>
    %dma_start3A_303 = arith.constant 0 : i32
    %dma_start3A_304 = tpu.memref_slice %arg9[%add3A_295, %dma_start3A_303] : memref<16384x128xf32, #tpu.memory_space<hbm>> -> memref<128x128xf32, #tpu.memory_space<hbm>>
    %dma_start3A_305 = arith.constant 0 : i32
    %dma_start3A_306 = arith.constant 0 : i32
    %dma_start3A_307 = tpu.memref_slice %arg14[%dma_start3A_296, %dma_start3A_305, %dma_start3A_306] : memref<7x128x128xf32, #tpu.memory_space<vmem>> -> memref<1x128x128xf32, #tpu.memory_space<vmem>>
    %dma_start3A_308 = tpu.memref_squeeze %dma_start3A_307 : memref<1x128x128xf32, #tpu.memory_space<vmem>> -> memref<128x128xf32, #tpu.memory_space<vmem>>
    tpu.enqueue_dma source(%dma_start3A_308 : memref<128x128xf32, #tpu.memory_space<vmem>>) target(%dma_start3A_304 : memref<128x128xf32, #tpu.memory_space<hbm>>) target_semaphore(%arg22 : memref<!tpu.dma_semaphore, #tpu.memory_space<semaphore_mem>>)
    %dma_wait3A_309 = arith.constant 6 : i32
    %dma_wait3A_310 = arith.constant 0 : i32
    %dma_wait3A_311 = arith.constant 0 : i32
    %dma_wait3A_312 = tpu.memref_slice %arg14[%dma_wait3A_309, %dma_wait3A_310, %dma_wait3A_311] : memref<7x128x128xf32, #tpu.memory_space<vmem>> -> memref<1x128x128xf32, #tpu.memory_space<vmem>>
    %dma_wait3A_313 = tpu.memref_squeeze %dma_wait3A_312 : memref<1x128x128xf32, #tpu.memory_space<vmem>> -> memref<128x128xf32, #tpu.memory_space<vmem>>
    %dma_wait3A_314 = arith.constant 256 : i32
    %dma_wait3A_315 = tpu.memref_slice %arg13[%dma_wait3A_314] : memref<512xi32, #tpu.memory_space<vmem>> -> memref<128xi32, #tpu.memory_space<vmem>>
    %dma_wait3A_316 = arith.constant 0 : i32
    %dma_wait3A_317 = arith.constant 0 : i32
    %dma_wait3A_318 = tpu.memref_slice %arg5[%dma_wait3A_316, %dma_wait3A_317] : memref<100000x128xf32, #tpu.memory_space<hbm>> -> memref<100000x128xf32, #tpu.memory_space<hbm>>
    tpu.wait_indirect_dma semaphore(%arg23 : memref<!tpu.dma_semaphore, #tpu.memory_space<semaphore_mem>>) src(%dma_wait3A_318 : memref<100000x128xf32, #tpu.memory_space<hbm>>) dst(%dma_wait3A_313 : memref<128x128xf32, #tpu.memory_space<vmem>>)
    %add3A_319 = arith.constant 256 : i32
    %add3A_320 = arith.addi %mul3A_2, %add3A_319 : i32
    %dma_start3A_321 = arith.constant 6 : i32
    %dma_start3A_322 = arith.constant 0 : i32
    %dma_start3A_323 = arith.constant 0 : i32
    %dma_start3A_324 = tpu.memref_slice %arg14[%dma_start3A_321, %dma_start3A_322, %dma_start3A_323] : memref<7x128x128xf32, #tpu.memory_space<vmem>> -> memref<1x128x128xf32, #tpu.memory_space<vmem>>
    %dma_start3A_325 = tpu.memref_squeeze %dma_start3A_324 : memref<1x128x128xf32, #tpu.memory_space<vmem>> -> memref<128x128xf32, #tpu.memory_space<vmem>>
    %dma_start3A_326 = arith.constant 0 : i32
    %dma_start3A_327 = tpu.memref_slice %arg9[%add3A_320, %dma_start3A_326] : memref<16384x128xf32, #tpu.memory_space<hbm>> -> memref<128x128xf32, #tpu.memory_space<hbm>>
    %dma_start3A_328 = arith.constant 0 : i32
    %dma_start3A_329 = tpu.memref_slice %arg9[%add3A_320, %dma_start3A_328] : memref<16384x128xf32, #tpu.memory_space<hbm>> -> memref<128x128xf32, #tpu.memory_space<hbm>>
    %dma_start3A_330 = arith.constant 0 : i32
    %dma_start3A_331 = arith.constant 0 : i32
    %dma_start3A_332 = tpu.memref_slice %arg14[%dma_start3A_321, %dma_start3A_330, %dma_start3A_331] : memref<7x128x128xf32, #tpu.memory_space<vmem>> -> memref<1x128x128xf32, #tpu.memory_space<vmem>>
    %dma_start3A_333 = tpu.memref_squeeze %dma_start3A_332 : memref<1x128x128xf32, #tpu.memory_space<vmem>> -> memref<128x128xf32, #tpu.memory_space<vmem>>
    tpu.enqueue_dma source(%dma_start3A_333 : memref<128x128xf32, #tpu.memory_space<vmem>>) target(%dma_start3A_329 : memref<128x128xf32, #tpu.memory_space<hbm>>) target_semaphore(%arg23 : memref<!tpu.dma_semaphore, #tpu.memory_space<semaphore_mem>>)
    %dma_wait3A_334 = arith.constant 0 : i32
    %dma_wait3A_335 = arith.constant 0 : i32
    %dma_wait3A_336 = arith.constant 0 : i32
    %dma_wait3A_337 = tpu.memref_slice %arg14[%dma_wait3A_334, %dma_wait3A_335, %dma_wait3A_336] : memref<7x128x128xf32, #tpu.memory_space<vmem>> -> memref<1x128x128xf32, #tpu.memory_space<vmem>>
    %dma_wait3A_338 = tpu.memref_squeeze %dma_wait3A_337 : memref<1x128x128xf32, #tpu.memory_space<vmem>> -> memref<128x128xf32, #tpu.memory_space<vmem>>
    %dma_wait3A_339 = arith.constant 384 : i32
    %dma_wait3A_340 = tpu.memref_slice %arg13[%dma_wait3A_339] : memref<512xi32, #tpu.memory_space<vmem>> -> memref<128xi32, #tpu.memory_space<vmem>>
    %dma_wait3A_341 = arith.constant 0 : i32
    %dma_wait3A_342 = arith.constant 0 : i32
    %dma_wait3A_343 = tpu.memref_slice %arg5[%dma_wait3A_341, %dma_wait3A_342] : memref<100000x128xf32, #tpu.memory_space<hbm>> -> memref<100000x128xf32, #tpu.memory_space<hbm>>
    tpu.wait_indirect_dma semaphore(%arg17 : memref<!tpu.dma_semaphore, #tpu.memory_space<semaphore_mem>>) src(%dma_wait3A_343 : memref<100000x128xf32, #tpu.memory_space<hbm>>) dst(%dma_wait3A_338 : memref<128x128xf32, #tpu.memory_space<vmem>>)
    %add3A_344 = arith.constant 384 : i32
    %add3A_345 = arith.addi %mul3A_2, %add3A_344 : i32
    %dma_start3A_346 = arith.constant 0 : i32
    %dma_start3A_347 = arith.constant 0 : i32
    %dma_start3A_348 = arith.constant 0 : i32
    %dma_start3A_349 = tpu.memref_slice %arg14[%dma_start3A_346, %dma_start3A_347, %dma_start3A_348] : memref<7x128x128xf32, #tpu.memory_space<vmem>> -> memref<1x128x128xf32, #tpu.memory_space<vmem>>
    %dma_start3A_350 = tpu.memref_squeeze %dma_start3A_349 : memref<1x128x128xf32, #tpu.memory_space<vmem>> -> memref<128x128xf32, #tpu.memory_space<vmem>>
    %dma_start3A_351 = arith.constant 0 : i32
    %dma_start3A_352 = tpu.memref_slice %arg9[%add3A_345, %dma_start3A_351] : memref<16384x128xf32, #tpu.memory_space<hbm>> -> memref<128x128xf32, #tpu.memory_space<hbm>>
    %dma_start3A_353 = arith.constant 0 : i32
    %dma_start3A_354 = tpu.memref_slice %arg9[%add3A_345, %dma_start3A_353] : memref<16384x128xf32, #tpu.memory_space<hbm>> -> memref<128x128xf32, #tpu.memory_space<hbm>>
    %dma_start3A_355 = arith.constant 0 : i32
    %dma_start3A_356 = arith.constant 0 : i32
    %dma_start3A_357 = tpu.memref_slice %arg14[%dma_start3A_346, %dma_start3A_355, %dma_start3A_356] : memref<7x128x128xf32, #tpu.memory_space<vmem>> -> memref<1x128x128xf32, #tpu.memory_space<vmem>>
    %dma_start3A_358 = tpu.memref_squeeze %dma_start3A_357 : memref<1x128x128xf32, #tpu.memory_space<vmem>> -> memref<128x128xf32, #tpu.memory_space<vmem>>
    tpu.enqueue_dma source(%dma_start3A_358 : memref<128x128xf32, #tpu.memory_space<vmem>>) target(%dma_start3A_354 : memref<128x128xf32, #tpu.memory_space<hbm>>) target_semaphore(%arg17 : memref<!tpu.dma_semaphore, #tpu.memory_space<semaphore_mem>>)
    %dma_wait3A_359 = arith.constant 1 : i32
    %dma_wait3A_360 = arith.constant 0 : i32
    %dma_wait3A_361 = arith.constant 0 : i32
    %dma_wait3A_362 = tpu.memref_slice %arg14[%dma_wait3A_359, %dma_wait3A_360, %dma_wait3A_361] : memref<7x128x128xf32, #tpu.memory_space<vmem>> -> memref<1x128x128xf32, #tpu.memory_space<vmem>>
    %dma_wait3A_363 = tpu.memref_squeeze %dma_wait3A_362 : memref<1x128x128xf32, #tpu.memory_space<vmem>> -> memref<128x128xf32, #tpu.memory_space<vmem>>
    %dma_wait3A_364 = arith.constant 0 : i32
    %dma_wait3A_365 = tpu.memref_slice %arg8[%add3A_164, %dma_wait3A_364] : memref<16384x128xf32, #tpu.memory_space<hbm>> -> memref<128x128xf32, #tpu.memory_space<hbm>>
    %dma_wait3A_366 = arith.constant 0 : i32
    %dma_wait3A_367 = tpu.memref_slice %arg8[%add3A_164, %dma_wait3A_366] : memref<16384x128xf32, #tpu.memory_space<hbm>> -> memref<128x128xf32, #tpu.memory_space<hbm>>
    %dma_wait3A_368 = arith.constant 0 : i32
    %dma_wait3A_369 = arith.constant 0 : i32
    %dma_wait3A_370 = tpu.memref_slice %arg14[%dma_wait3A_359, %dma_wait3A_368, %dma_wait3A_369] : memref<7x128x128xf32, #tpu.memory_space<vmem>> -> memref<1x128x128xf32, #tpu.memory_space<vmem>>
    %dma_wait3A_371 = tpu.memref_squeeze %dma_wait3A_370 : memref<1x128x128xf32, #tpu.memory_space<vmem>> -> memref<128x128xf32, #tpu.memory_space<vmem>>
    tpu.wait_dma2 semaphore(%arg18 : memref<!tpu.dma_semaphore, #tpu.memory_space<semaphore_mem>>) src(%dma_wait3A_371 : memref<128x128xf32, #tpu.memory_space<vmem>>) dst(%dma_wait3A_367 : memref<128x128xf32, #tpu.memory_space<hbm>>)
    %dma_wait3A_372 = arith.constant 2 : i32
    %dma_wait3A_373 = arith.constant 0 : i32
    %dma_wait3A_374 = arith.constant 0 : i32
    %dma_wait3A_375 = tpu.memref_slice %arg14[%dma_wait3A_372, %dma_wait3A_373, %dma_wait3A_374] : memref<7x128x128xf32, #tpu.memory_space<vmem>> -> memref<1x128x128xf32, #tpu.memory_space<vmem>>
    %dma_wait3A_376 = tpu.memref_squeeze %dma_wait3A_375 : memref<1x128x128xf32, #tpu.memory_space<vmem>> -> memref<128x128xf32, #tpu.memory_space<vmem>>
    %dma_wait3A_377 = arith.constant 0 : i32
    %dma_wait3A_378 = tpu.memref_slice %arg8[%add3A_189, %dma_wait3A_377] : memref<16384x128xf32, #tpu.memory_space<hbm>> -> memref<128x128xf32, #tpu.memory_space<hbm>>
    %dma_wait3A_379 = arith.constant 0 : i32
    %dma_wait3A_380 = tpu.memref_slice %arg8[%add3A_189, %dma_wait3A_379] : memref<16384x128xf32, #tpu.memory_space<hbm>> -> memref<128x128xf32, #tpu.memory_space<hbm>>
    %dma_wait3A_381 = arith.constant 0 : i32
    %dma_wait3A_382 = arith.constant 0 : i32
    %dma_wait3A_383 = tpu.memref_slice %arg14[%dma_wait3A_372, %dma_wait3A_381, %dma_wait3A_382] : memref<7x128x128xf32, #tpu.memory_space<vmem>> -> memref<1x128x128xf32, #tpu.memory_space<vmem>>
    %dma_wait3A_384 = tpu.memref_squeeze %dma_wait3A_383 : memref<1x128x128xf32, #tpu.memory_space<vmem>> -> memref<128x128xf32, #tpu.memory_space<vmem>>
    tpu.wait_dma2 semaphore(%arg19 : memref<!tpu.dma_semaphore, #tpu.memory_space<semaphore_mem>>) src(%dma_wait3A_384 : memref<128x128xf32, #tpu.memory_space<vmem>>) dst(%dma_wait3A_380 : memref<128x128xf32, #tpu.memory_space<hbm>>)
    %dma_wait3A_385 = arith.constant 3 : i32
    %dma_wait3A_386 = arith.constant 0 : i32
    %dma_wait3A_387 = arith.constant 0 : i32
    %dma_wait3A_388 = tpu.memref_slice %arg14[%dma_wait3A_385, %dma_wait3A_386, %dma_wait3A_387] : memref<7x128x128xf32, #tpu.memory_space<vmem>> -> memref<1x128x128xf32, #tpu.memory_space<vmem>>
    %dma_wait3A_389 = tpu.memref_squeeze %dma_wait3A_388 : memref<1x128x128xf32, #tpu.memory_space<vmem>> -> memref<128x128xf32, #tpu.memory_space<vmem>>
    %dma_wait3A_390 = arith.constant 0 : i32
    %dma_wait3A_391 = tpu.memref_slice %arg8[%add3A_214, %dma_wait3A_390] : memref<16384x128xf32, #tpu.memory_space<hbm>> -> memref<128x128xf32, #tpu.memory_space<hbm>>
    %dma_wait3A_392 = arith.constant 0 : i32
    %dma_wait3A_393 = tpu.memref_slice %arg8[%add3A_214, %dma_wait3A_392] : memref<16384x128xf32, #tpu.memory_space<hbm>> -> memref<128x128xf32, #tpu.memory_space<hbm>>
    %dma_wait3A_394 = arith.constant 0 : i32
    %dma_wait3A_395 = arith.constant 0 : i32
    %dma_wait3A_396 = tpu.memref_slice %arg14[%dma_wait3A_385, %dma_wait3A_394, %dma_wait3A_395] : memref<7x128x128xf32, #tpu.memory_space<vmem>> -> memref<1x128x128xf32, #tpu.memory_space<vmem>>
    %dma_wait3A_397 = tpu.memref_squeeze %dma_wait3A_396 : memref<1x128x128xf32, #tpu.memory_space<vmem>> -> memref<128x128xf32, #tpu.memory_space<vmem>>
    tpu.wait_dma2 semaphore(%arg20 : memref<!tpu.dma_semaphore, #tpu.memory_space<semaphore_mem>>) src(%dma_wait3A_397 : memref<128x128xf32, #tpu.memory_space<vmem>>) dst(%dma_wait3A_393 : memref<128x128xf32, #tpu.memory_space<hbm>>)
    %dma_wait3A_398 = arith.constant 4 : i32
    %dma_wait3A_399 = arith.constant 0 : i32
    %dma_wait3A_400 = arith.constant 0 : i32
    %dma_wait3A_401 = tpu.memref_slice %arg14[%dma_wait3A_398, %dma_wait3A_399, %dma_wait3A_400] : memref<7x128x128xf32, #tpu.memory_space<vmem>> -> memref<1x128x128xf32, #tpu.memory_space<vmem>>
    %dma_wait3A_402 = tpu.memref_squeeze %dma_wait3A_401 : memref<1x128x128xf32, #tpu.memory_space<vmem>> -> memref<128x128xf32, #tpu.memory_space<vmem>>
    %dma_wait3A_403 = arith.constant 0 : i32
    %dma_wait3A_404 = tpu.memref_slice %arg9[%add3A_239, %dma_wait3A_403] : memref<16384x128xf32, #tpu.memory_space<hbm>> -> memref<128x128xf32, #tpu.memory_space<hbm>>
    %dma_wait3A_405 = arith.constant 0 : i32
    %dma_wait3A_406 = tpu.memref_slice %arg9[%add3A_239, %dma_wait3A_405] : memref<16384x128xf32, #tpu.memory_space<hbm>> -> memref<128x128xf32, #tpu.memory_space<hbm>>
    %dma_wait3A_407 = arith.constant 0 : i32
    %dma_wait3A_408 = arith.constant 0 : i32
    %dma_wait3A_409 = tpu.memref_slice %arg14[%dma_wait3A_398, %dma_wait3A_407, %dma_wait3A_408] : memref<7x128x128xf32, #tpu.memory_space<vmem>> -> memref<1x128x128xf32, #tpu.memory_space<vmem>>
    %dma_wait3A_410 = tpu.memref_squeeze %dma_wait3A_409 : memref<1x128x128xf32, #tpu.memory_space<vmem>> -> memref<128x128xf32, #tpu.memory_space<vmem>>
    tpu.wait_dma2 semaphore(%arg21 : memref<!tpu.dma_semaphore, #tpu.memory_space<semaphore_mem>>) src(%dma_wait3A_410 : memref<128x128xf32, #tpu.memory_space<vmem>>) dst(%dma_wait3A_406 : memref<128x128xf32, #tpu.memory_space<hbm>>)
    %dma_wait3A_411 = arith.constant 5 : i32
    %dma_wait3A_412 = arith.constant 0 : i32
    %dma_wait3A_413 = arith.constant 0 : i32
    %dma_wait3A_414 = tpu.memref_slice %arg14[%dma_wait3A_411, %dma_wait3A_412, %dma_wait3A_413] : memref<7x128x128xf32, #tpu.memory_space<vmem>> -> memref<1x128x128xf32, #tpu.memory_space<vmem>>
    %dma_wait3A_415 = tpu.memref_squeeze %dma_wait3A_414 : memref<1x128x128xf32, #tpu.memory_space<vmem>> -> memref<128x128xf32, #tpu.memory_space<vmem>>
    %dma_wait3A_416 = arith.constant 0 : i32
    %dma_wait3A_417 = tpu.memref_slice %arg9[%add3A_295, %dma_wait3A_416] : memref<16384x128xf32, #tpu.memory_space<hbm>> -> memref<128x128xf32, #tpu.memory_space<hbm>>
    %dma_wait3A_418 = arith.constant 0 : i32
    %dma_wait3A_419 = tpu.memref_slice %arg9[%add3A_295, %dma_wait3A_418] : memref<16384x128xf32, #tpu.memory_space<hbm>> -> memref<128x128xf32, #tpu.memory_space<hbm>>
    %dma_wait3A_420 = arith.constant 0 : i32
    %dma_wait3A_421 = arith.constant 0 : i32
    %dma_wait3A_422 = tpu.memref_slice %arg14[%dma_wait3A_411, %dma_wait3A_420, %dma_wait3A_421] : memref<7x128x128xf32, #tpu.memory_space<vmem>> -> memref<1x128x128xf32, #tpu.memory_space<vmem>>
    %dma_wait3A_423 = tpu.memref_squeeze %dma_wait3A_422 : memref<1x128x128xf32, #tpu.memory_space<vmem>> -> memref<128x128xf32, #tpu.memory_space<vmem>>
    tpu.wait_dma2 semaphore(%arg22 : memref<!tpu.dma_semaphore, #tpu.memory_space<semaphore_mem>>) src(%dma_wait3A_423 : memref<128x128xf32, #tpu.memory_space<vmem>>) dst(%dma_wait3A_419 : memref<128x128xf32, #tpu.memory_space<hbm>>)
    %dma_wait3A_424 = arith.constant 6 : i32
    %dma_wait3A_425 = arith.constant 0 : i32
    %dma_wait3A_426 = arith.constant 0 : i32
    %dma_wait3A_427 = tpu.memref_slice %arg14[%dma_wait3A_424, %dma_wait3A_425, %dma_wait3A_426] : memref<7x128x128xf32, #tpu.memory_space<vmem>> -> memref<1x128x128xf32, #tpu.memory_space<vmem>>
    %dma_wait3A_428 = tpu.memref_squeeze %dma_wait3A_427 : memref<1x128x128xf32, #tpu.memory_space<vmem>> -> memref<128x128xf32, #tpu.memory_space<vmem>>
    %dma_wait3A_429 = arith.constant 0 : i32
    %dma_wait3A_430 = tpu.memref_slice %arg9[%add3A_320, %dma_wait3A_429] : memref<16384x128xf32, #tpu.memory_space<hbm>> -> memref<128x128xf32, #tpu.memory_space<hbm>>
    %dma_wait3A_431 = arith.constant 0 : i32
    %dma_wait3A_432 = tpu.memref_slice %arg9[%add3A_320, %dma_wait3A_431] : memref<16384x128xf32, #tpu.memory_space<hbm>> -> memref<128x128xf32, #tpu.memory_space<hbm>>
    %dma_wait3A_433 = arith.constant 0 : i32
    %dma_wait3A_434 = arith.constant 0 : i32
    %dma_wait3A_435 = tpu.memref_slice %arg14[%dma_wait3A_424, %dma_wait3A_433, %dma_wait3A_434] : memref<7x128x128xf32, #tpu.memory_space<vmem>> -> memref<1x128x128xf32, #tpu.memory_space<vmem>>
    %dma_wait3A_436 = tpu.memref_squeeze %dma_wait3A_435 : memref<1x128x128xf32, #tpu.memory_space<vmem>> -> memref<128x128xf32, #tpu.memory_space<vmem>>
    tpu.wait_dma2 semaphore(%arg23 : memref<!tpu.dma_semaphore, #tpu.memory_space<semaphore_mem>>) src(%dma_wait3A_436 : memref<128x128xf32, #tpu.memory_space<vmem>>) dst(%dma_wait3A_432 : memref<128x128xf32, #tpu.memory_space<hbm>>)
    %dma_wait3A_437 = arith.constant 0 : i32
    %dma_wait3A_438 = arith.constant 0 : i32
    %dma_wait3A_439 = arith.constant 0 : i32
    %dma_wait3A_440 = tpu.memref_slice %arg14[%dma_wait3A_437, %dma_wait3A_438, %dma_wait3A_439] : memref<7x128x128xf32, #tpu.memory_space<vmem>> -> memref<1x128x128xf32, #tpu.memory_space<vmem>>
    %dma_wait3A_441 = tpu.memref_squeeze %dma_wait3A_440 : memref<1x128x128xf32, #tpu.memory_space<vmem>> -> memref<128x128xf32, #tpu.memory_space<vmem>>
    %dma_wait3A_442 = arith.constant 0 : i32
    %dma_wait3A_443 = tpu.memref_slice %arg9[%add3A_345, %dma_wait3A_442] : memref<16384x128xf32, #tpu.memory_space<hbm>> -> memref<128x128xf32, #tpu.memory_space<hbm>>
    %dma_wait3A_444 = arith.constant 0 : i32
    %dma_wait3A_445 = tpu.memref_slice %arg9[%add3A_345, %dma_wait3A_444] : memref<16384x128xf32, #tpu.memory_space<hbm>> -> memref<128x128xf32, #tpu.memory_space<hbm>>
    %dma_wait3A_446 = arith.constant 0 : i32
    %dma_wait3A_447 = arith.constant 0 : i32
    %dma_wait3A_448 = tpu.memref_slice %arg14[%dma_wait3A_437, %dma_wait3A_446, %dma_wait3A_447] : memref<7x128x128xf32, #tpu.memory_space<vmem>> -> memref<1x128x128xf32, #tpu.memory_space<vmem>>
    %dma_wait3A_449 = tpu.memref_squeeze %dma_wait3A_448 : memref<1x128x128xf32, #tpu.memory_space<vmem>> -> memref<128x128xf32, #tpu.memory_space<vmem>>
    tpu.wait_dma2 semaphore(%arg17 : memref<!tpu.dma_semaphore, #tpu.memory_space<semaphore_mem>>) src(%dma_wait3A_449 : memref<128x128xf32, #tpu.memory_space<vmem>>) dst(%dma_wait3A_445 : memref<128x128xf32, #tpu.memory_space<hbm>>)
    %dma_wait3A_450 = tpu.memref_slice %arg10[%mul3A_2] : memref<16384xf32, #tpu.memory_space<hbm>> -> memref<512xf32, #tpu.memory_space<hbm>>
    %dma_wait3A_451 = tpu.memref_slice %arg10[%mul3A_2] : memref<16384xf32, #tpu.memory_space<hbm>> -> memref<512xf32, #tpu.memory_space<hbm>>
    tpu.wait_dma2 semaphore(%arg24 : memref<!tpu.dma_semaphore, #tpu.memory_space<semaphore_mem>>) src(%arg15 : memref<512xf32, #tpu.memory_space<vmem>>) dst(%dma_wait3A_451 : memref<512xf32, #tpu.memory_space<hbm>>)
    %lt3A_452 = arith.constant 16 : i32
    %lt3A_453 = arith.cmpi slt, %add3A, %lt3A_452 : i32
    %convert_element_type3A_454 = arith.extui %lt3A_453 : i1 to i32
    %cond3A_455 = arith.constant 0 : i32
    %cond3A_456 = arith.cmpi ne, %convert_element_type3A_454, %cond3A_455 : i32
    scf.if %cond3A_456 {
      %mul3A_457 = arith.constant 8 : i32
      %mul3A_458 = arith.muli %add3A, %mul3A_457 : i32
      %dma_wait3A_459 = arith.constant 0 : i32
      %dma_wait3A_460 = tpu.memref_slice %arg11[%mul3A_458, %dma_wait3A_459] : memref<128x128xf32, #tpu.memory_space<hbm>> -> memref<8x128xf32, #tpu.memory_space<hbm>>
      %dma_wait3A_461 = arith.constant 0 : i32
      %dma_wait3A_462 = tpu.memref_slice %arg11[%mul3A_458, %dma_wait3A_461] : memref<128x128xf32, #tpu.memory_space<hbm>> -> memref<8x128xf32, #tpu.memory_space<hbm>>
      tpu.wait_dma2 semaphore(%arg27 : memref<!tpu.dma_semaphore, #tpu.memory_space<semaphore_mem>>) src(%arg16 : memref<8x128xf32, #tpu.memory_space<vmem>>) dst(%dma_wait3A_462 : memref<8x128xf32, #tpu.memory_space<hbm>>)
    } else {
    }
    return
  }
}

</mosaic_0001>

<sc_bundles>
// kernel: kernel.3.cloned.1.call-start
scs
__scs_entry_jumppad:
0x0: {  	(pc) =	sbr.rel $0x88, $3  }
0x1: {  	(tag) =	ssettag $0x0;
	lr =	simm.s32 $0x1  }
0x2: {  	[smem:$0x3F9B] =	sst lr;
	_ =	strace $0xD0000000  }
0x3: {  	_ = 	snop  }
0x4: {  	_ = 	snop  }
0x5: {  	_ = 	snop  }
0x6: {  	_ = 	snop  }
0x7: {  	_ = 	snop  }
__scs_overlays_trampoline_lowered:
0x8: {  	[smem:$0x3FAA] =	sst s0  }
0x9: {  	[smem:$0x3FAB] =	sst s1  }
0xa: {  	[smem:$0x3FAC] =	sst s2  }
0xb: {  	[smem:$0x3FAD] =	sst s3  }
0xc: {  	[smem:$0x3FAE] =	sst s4  }
0xd: {  	[smem:$0x3FAF] =	sst s5  }
0xe: {  	[smem:$0x3FB0] =	sst s6  }
0xf: {  	[smem:$0x3FB1] =	sst s7  }
0x10: {  	[smem:$0x3FB2] =	sst s8  }
0x11: {  	[smem:$0x3FB3] =	sst s9;
	s0 =	simm.s32 @!p0 $0x0  }
0x12: {  	s1 =	sld [smem:$0x3F99];
	s0 =	simm.s32 @p0 $0x1  }
0x13: {  	[smem:$0x3FB4] =	sst s0;
	s0 =	simm.s32 @!p1 $0x0  }
0x14: {  	s2 =	sld [smem:$0x3F98];
	s0 =	simm.s32 @p1 $0x1  }
0x15: {  	[smem:$0x3FB5] =	sst s0;
	s0 =	simm.s32 @!p2 $0x0  }
0x16: {  	s3 =	sld [smem:$0x3FDB];
	s0 =	simm.s32 @p2 $0x1  }
0x17: {  	s4 =	simm.s32 $0x1BF5;
	[smem:$0x3FB7] =	sst s0  }
0x18: {  	s0 =	sld [smem:$0x3F9A];
	_ =	swait.ge [sflag:s4], $0x0  }
0x19: {  	s7 =	sld [smem:$0x3F9B]  }
0x1a: {  	s8 =	sadd.s32 $0xFFFFE003, lr  }
0x1b: {  	s9 =	sadd.s32 $0xFFFFFEF7, lr;
	s5 =	simm.s32 $0xFFFFFFFF;
	p2 =	slt.u32 s8, $0xFFFFF086  }
0x1c: {  	p1 =	slt.u32 s9, $0xF7A;
	s5 =	simm.s32 @!p2 $0x0  }
0x1d: {  	s5 =	simm.s32 @p1 $0x1;
	p0 =	seq.s32 s7, s2  }
0x1e: {  	s7 =	smul.u32 @!p0 $0xF7A, s2;
	p2 =	seq.s32 @!p0 s5, $0x0  }
0x1f: {  	s9 =	smul.u32 $0xF7A, s1;
	s8 =	simm.s32 @!p0 $0x1BF5;
	p2 =	por !p2, p0  }
0x20: {  	[sflag:s8] =	ssyncset.s32 @!p0 $0xFFFFF086;
	s6 =	sadd.s32 @!p0 s3, s7;
	s7 =	simm.s32 @!p0 $0x108  }
0x21: {  	s3 =	sadd.s32 s3, s9;
	s6 =	sadd.s32 @!p0 $0x88, s6;
	s7 =	simm.s32 @p2 $0x1082  }
0x22: {  	[simem:s7], [sflag:s8] =	dma.local @!p0 [hbm:s6], $0xF7A  }
0x23: {  	s9 =	sor.u32 $0xD0000000, s2;
	s6 =	simm.s32 $0x108;
	_ =	swait.ge @!p0 [sflag:s8], $0x0  }
0x24: {  	s3 =	sadd.s32 $0x88, s3;
	s6 =	simm.s32 @!p1 $0x1082;
	[sflag:s4] =	ssyncset.s32 $0xFFFFF086  }
0x25: {  	[simem:s6], [sflag:s4] =	dma.local [hbm:s3], $0xF7A  }
0x26: {  	[smem:$0x3F9B] =	sst s1;
	(tag) =	ssettag s2;
	_ =	strace s9  }
0x27: {  	s1 =	sld [smem:$0x3FAB]  }
0x28: {  	s2 =	sld [smem:$0x3FAC]  }
0x29: {  	s4 =	sld [smem:$0x3FAE]  }
0x2a: {  	p0 =	seq.s32 s5, $0x0;
	s5 =	sld [smem:$0x3FAF]  }
0x2b: {  	s6 =	sld [smem:$0x3FB0]  }
0x2c: {  	s7 =	sld [smem:$0x3FB1]  }
0x2d: {  	s3 =	simm.s32 $0x108;
	s8 =	sld [smem:$0x3FB2]  }
0x2e: {  	s3 =	simm.s32 @!p0 $0x1082;
	s9 =	sld [smem:$0x3FB3]  }
0x2f: {  	lr =	sadd.s32 s0, s3;
	s0 =	sld [smem:$0x3FAA]  }
0x30: {  	s3 =	sld [smem:$0x3FAD]  }
0x31: {  	[smem:$0x3FB6] =	sst s10  }
0x32: {  	s10 =	sld [smem:$0x3FB4];
	_ =	sdelay $0x3  }
0x33: {  	p0 =	seq.s32 s10, $0x1;
	s10 =	sld [smem:$0x3FB6];
	_ =	sdelay $0x3  }
0x34: {  	[smem:$0x3FB6] =	sst s10  }
0x35: {  	s10 =	sld [smem:$0x3FB5];
	_ =	sdelay $0x3  }
0x36: {  	p1 =	seq.s32 s10, $0x1;
	s10 =	sld [smem:$0x3FB6];
	_ =	sdelay $0x3  }
0x37: {  	[smem:$0x3FB6] =	sst s10  }
0x38: {  	s10 =	sld [smem:$0x3FB7]  }
0x39: {  	_ = 	snop;
	(pc) =	sbr.ind lr, $3  }
0x3a: {  	_ = 	snop  }
0x3b: {  	_ = 	snop  }
0x3c: {  	p2 =	seq.s32 s10, $0x1;
	s10 =	sld [smem:$0x3FB6]  }
0x3d: {  	_ =	shalt  }
0x3e: {  	_ =	shalt  }
0x3f: {  	_ =	shalt  }
0x40: {  	_ =	shalt  }
0x41: {  	_ =	shalt  }
0x42: {  	_ =	shalt  }
0x43: {  	_ =	shalt  }
0x44: {  	_ =	shalt  }
0x45: {  	_ =	shalt  }
0x46: {  	_ =	shalt  }
0x47: {  	_ =	shalt  }
0x48: {  	_ =	shalt  }
0x49: {  	_ =	shalt  }
0x4a: {  	_ =	shalt  }
0x4b: {  	_ =	shalt  }
0x4c: {  	_ =	shalt  }
0x4d: {  	_ =	shalt  }
0x4e: {  	_ =	shalt  }
0x4f: {  	_ =	shalt  }
0x50: {  	_ =	shalt  }
0x51: {  	_ =	shalt  }
0x52: {  	_ =	shalt  }
0x53: {  	_ =	shalt  }
0x54: {  	_ =	shalt  }
0x55: {  	_ =	shalt  }
0x56: {  	_ =	shalt  }
0x57: {  	_ =	shalt  }
0x58: {  	_ =	shalt  }
0x59: {  	_ =	shalt  }
0x5a: {  	_ =	shalt  }
0x5b: {  	_ =	shalt  }
0x5c: {  	_ =	shalt  }
0x5d: {  	_ =	shalt  }
0x5e: {  	_ =	shalt  }
0x5f: {  	_ =	shalt  }
0x60: {  	_ =	shalt  }
0x61: {  	_ =	shalt  }
0x62: {  	_ =	shalt  }
0x63: {  	_ =	shalt  }
0x64: {  	_ =	shalt  }
0x65: {  	_ =	shalt  }
0x66: {  	_ =	shalt  }
0x67: {  	_ =	shalt  }
0x68: {  	_ =	shalt  }
0x69: {  	_ =	shalt  }
0x6a: {  	_ =	shalt  }
0x6b: {  	_ =	shalt  }
0x6c: {  	_ =	shalt  }
0x6d: {  	_ =	shalt  }
0x6e: {  	_ =	shalt  }
0x6f: {  	_ =	shalt  }
0x70: {  	_ =	shalt  }
0x71: {  	_ =	shalt  }
0x72: {  	_ =	shalt  }
0x73: {  	_ =	shalt  }
0x74: {  	_ =	shalt  }
0x75: {  	_ =	shalt  }
0x76: {  	_ =	shalt  }
0x77: {  	_ =	shalt  }
0x78: {  	_ =	shalt  }
0x79: {  	_ =	shalt  }
0x7a: {  	_ =	shalt  }
0x7b: {  	_ =	shalt  }
0x7c: {  	_ =	shalt  }
0x7d: {  	_ =	shalt  }
0x7e: {  	_ =	shalt  }
0x7f: {  	_ =	shalt  }
0x80: {  	_ =	shalt  }
0x81: {  	_ =	shalt  }
0x82: {  	_ =	shalt  }
0x83: {  	_ =	shalt  }
0x84: {  	_ =	shalt  }
0x85: {  	_ =	shalt  }
0x86: {  	_ =	shalt  }
0x87: {  	_ =	shalt  }
.Lfunc_end0:
.L_simem_size_0:
called_computation_lowered:
.L_overlay_start_0:
0x88: {  	s2 =	sld [smem:$0x3FD9]  }
0x89: {  	s3 =	sld [smem:$0x3FFE];
	_ =	sdelay $0x1  }
0x8a: {  	s1 =	srdreg.scid  }
0x8b: {  	s0 =	sand.u32 $0x1, s1  }
0x8c: {  	s30 =	sshll.u32 s0, $0xA;
	s2 =	sadd.s32 s3, s2  }
0x8d: {  	s2 =	sadd.s32 s2, s30  }
0x8e: {  	[smem:$0x3FC2] =	sst s2  }
0x8f: {  	_ = 	snop  }
0x90: {  	s2 =	sld [smem:$0x3FC9]  }
0x91: {  	s31 =	sld [smem:$0x3FC8]  }
0x92: {  	s4 =	sld [smem:$0x3FD0]  }
0x93: {  	s5 =	sld [smem:$0x3FC7]  }
0x94: {  	s6 =	sld [smem:$0x3FC6]  }
0x95: {  	s8 =	simm.s32 $0xA;
	s9 =	simm.s32 $0x10;
	s7 =	sld [smem:$0x3FC4]  }
0x96: {  	[smem:s9], [sflag:s8] =	dma.local [hbm:s4], $0x1  }
0x97: {  	_ =	swait.eq [sflag:s8], $0x1  }
0x98: {  	s16 =	sld [smem:$0x10]  }
0x99: {  	s17 =	sld [smem:$0x11];
	[sflag:s8] =	ssyncset.done $0x0  }
0x9a: {  	s10 =	sld [smem:$0x12];
	[sflag:s8] =	ssyncadd.s32 $0xFFFFFFFF  }
0x9b: {  	s18 =	sld [smem:$0x13];
	(tm) =	ssettm $0x1  }
0x9c: {  	s11 =	sld [smem:$0x3FFB];
	_ =	sdelay $0x3  }
0x9d: {  	_ =	strace s11  }
0x9e: {  	s11 =	sld [smem:$0x3FFC];
	_ =	sdelay $0x3  }
0x9f: {  	_ =	strace s11  }
0xa0: {  	s11 =	sld [smem:$0x3FFD];
	_ =	sdelay $0x3  }
0xa1: {  	_ =	strace s11  }
0xa2: {  	_ =	strace $0x8FFFFFFF  }
0xa3: {  	s19 =	sld [smem:$0x3FDB];
	_ =	sdelay $0x1  }
0xa4: {  	s12 =	simm.s32 $_scs_section_size  }
0xa5: {  	s13 =	simm.s32 $_size__tile_overlayer_lowered;
	s14 =	simm.s32 $_tile_overlayer_lowered  }
0xa6: {  	s22 =	simm.s32 $0x1BFF;
	s21 =	sshll.u32 s14, $0x1;
	s11 =	sadd.s32 s12, s19  }
0xa7: {  	s15 =	simm.s32 $0x0;
	s20 =	sshll.u32 s13, $0x1;
	s13 =	sadd.s32 s21, s11  }
0xa8: {  	[timem:s15], [sflag:s22] =	dma.local [hbm:s13], s20  }
0xa9: {  	_ =	swait.ge [sflag:s22], s20  }
0xaa: {  	s12 =	ssub.s32 $0x0, s20;
	[sflag:s22] =	ssyncset.done $0x0  }
0xab: {  	[sflag:s22] =	ssyncadd.s32 s12;
	_ =	sdelay $0x1  }
0xac: {  	s23 =	simm.s32 $0x1B8B  }
0xad: {  	_ =	swait.ge [sflag:s23], $0x1  }
0xae: {  	[sflag:s23] =	ssyncset.done $0x0  }
0xaf: {  	s25 =	simm.s32 $0x1B8E;
	s24 =	sld [smem:$0x3FFE];
	[sflag:s23] =	ssyncadd.s32 $0xFFFFFFFF  }
0xb0: {  	s26 =	simm.s32 $execute0_lowered;
	[smem:$0x3FD2] =	sst s25  }
0xb1: {  	s13 =	sshll.u32 s26, $0x1;
	_ =	strace $0x80000046;
	[dreg:$0x1] =	wrdreg $0xFFFFFFFF  }
0xb2: {  	s28 =	simm.s32 $_size_execute0_lowered;
	s11 =	sadd.s32 s11, s13;
	[dreg:$0x0] =	wrdreg $0x0  }
0xb3: {  	s13 =	sshll.u32 s28, $0x1;
	[dreg:$0x2] =	wrdreg s11  }
0xb4: {  	[dreg:$0x3] =	wrdreg s13  }
0xb5: {  	[dreg:$0x4] =	wrdreg $0xC0  }
0xb6: {  	_ =	task [dreg:s15], $0x5FFFF  }
0xb7: {  	[dreg:$0x1] =	wrdreg $0xFFFFFFFF  }
0xb8: {  	[dreg:$0x0] =	wrdreg $0x60  }
0xb9: {  	[dreg:$0x2] =	wrdreg s2  }
0xba: {  	[dreg:$0x3] =	wrdreg s31  }
0xbb: {  	[dreg:$0x4] =	wrdreg s5  }
0xbc: {  	[dreg:$0x5] =	wrdreg s6  }
0xbd: {  	[dreg:$0x6] =	wrdreg s24  }
0xbe: {  	[dreg:$0x7] =	wrdreg s7  }
0xbf: {  	[dreg:$0x8] =	wrdreg s16  }
0xc0: {  	[dreg:$0x9] =	wrdreg s17  }
0xc1: {  	[dreg:$0xa] =	wrdreg s10  }
0xc2: {  	[dreg:$0xb] =	wrdreg s18  }
0xc3: {  	[dreg:$0xc] =	wrdreg $0x9  }
0xc4: {  	_ =	task.clear_ibuf [dreg:s15], $0xDFFFF;
	_ =	strace $0x90000046  }
0xc5: {  	s29 =	simm.s32 $0x9;
	_ =	strace $0x80000048  }
0xc6: {  	_ =	swait.ge [sflag:s29], $0x1  }
0xc7: {  	[sflag:s29] =	ssyncadd.s32 $0xFFFFFFFF  }
0xc8: {  	_ =	strace $0x90000048  }
0xc9: {  	_ =	sfence  }
0xca: {  	s30 =	sld [smem:$0x0];
	_ =	sdelay $0x2  }
0xcb: {  	s31 =	sshll.u32 s1, $0xD;
	s1 =	sshrl.u32 s1, $0x2  }
0xcc: {  	s3 =	sand.u32 $0x4000, s31;
	s1 =	sadd.s32 s1, s30  }
0xcd: {  	s0 =	sor.u32 s3, s0;
	s1 =	sshll.u32 s1, $0x11  }
0xce: {  	s0 =	sor.u32 s1, s0  }
0xcf: {  	s0 =	sadd.s32 $0x8F2B, s0  }
0xd0: {  	[sflag:s0] =	ssyncadd.remote.s32 $0x1  }
0xd1: {  	_ =	sfence.sel $0xFFFF  }
0xd2: {  	[dreg:$0x0] =	wrdreg $0xFFFFFFFF;
	(pc) =	sbr.abs _section_cstart, $3  }
0xd3: {  	[dreg:$0x1] =	wrdreg $0xFFFFFFFF  }
0xd4: {  	_ =	task.clear_ibuf [dreg:s15], $0x2FFFF;
	_ =	strace $0x9FFFFFFF  }
0xd5: {  	(tm) =	ssettm $0x7FFFFFFF  }
tec
execute0_lowered:
.L_overlay_start_1:
0x0: {  	(tag) =	ssettag $0x1  }
0x1: {  	s0 =	rddreg [dreg:$0x0]  }
0x2: {  	s1 =	rddreg [dreg:$0x1]  }
0x3: {  	s15 =	rddreg [dreg:$0x2]  }
0x4: {  	s3 =	rddreg [dreg:$0x3]  }
0x5: {  	s4 =	rddreg [dreg:$0x4]  }
0x6: {  	s5 =	rddreg [dreg:$0x5]  }
0x7: {  	s6 =	rddreg [dreg:$0x6]  }
0x8: {  	s7 =	rddreg [dreg:$0x7]  }
0x9: {  	s8 =	rddreg [dreg:$0x8];
	s2 =	srdreg.scid  }
0xa: {  	s30 =	stileid.u32;
	s9 =	rddreg [dreg:$0x9]  }
0xb: {  	s31 =	rddreg [dreg:$0xa];
	s29 =	simm.s32 $0x9;
	s28 =	simm.s32 $0xA  }
0xc: {  	s10 =	sand.u32 $0x1, s2;
	s11 =	sshll.u32 s30, $0x1;
	s2 =	simm.s32 $0x0  }
0xd: {  	p1 =	por $0x0, $0x0;
	s11 =	sor.u32 s10, s11;
	[smem:$0x7FF] =	sst s2  }
0xe: {  	p0 =	sgt.u32 s30, $0x7;
	s12 =	sshll.u32 s11, $0x6;
	_ =	strace $0x80000047  }
0xf: {  	s20 =	sshll.u32 s11, $0x7;
	s22 =	sshll.u32 s11, $0xD;
	s0 =	sadd.s32 s0, s12  }
0x10: {  	s19 =	sadd.s32 s1, s12;
	s21 =	sadd.s32 s5, s20;
	s23 =	sadd.s32 s6, s22  }
0x11: {  	s11 =	sor.u32 $0x800, s22;
	s13 =	sor.u32 $0x1000, s22;
	[dreg:$0xb] =	wrdreg s0  }
0x12: {  	s14 =	sor.u32 $0x1800, s22;
	s8 =	sadd.s32 s8, s12;
	[dreg:$0xc] =	wrdreg s19  }
0x13: {  	s9 =	sadd.s32 s9, s20;
	s12 =	ssub.s32 $0x2, s10;
	[dreg:$0xd] =	wrdreg s21  }
0x14: {  	s20 =	simm.s32 $0x80;
	s5 =	simm.s32 $0x1;
	[dreg:$0xe] =	wrdreg s23  }
0x15: {  	s10 =	simm.s32 $0x5;
	s24 =	sadd.s32 s6, s11;
	[dreg:$0x13] =	wrdreg s8  }
0x16: {  	s25 =	sadd.s32 s6, s13;
	s26 =	sadd.s32 s6, s14;
	[dreg:$0x14] =	wrdreg s9  }
0x17: {  	s6 =	sadd.s32 s7, s22;
	s11 =	sadd.s32 s7, s11;
	[dreg:$0xf] =	wrdreg s24  }
0x18: {  	s13 =	sadd.s32 s7, s13;
	s16 =	sshrl.u32 s12, $0x1;
	[dreg:$0x10] =	wrdreg s25  }
0x19: {  	s17 =	sadd.s32 s7, s14;
	s22 =	sadd.s32 $0x400, s4;
	[dreg:$0x11] =	wrdreg s26  }
0x1a: {  	s23 =	simm.s32 $0x200;
	s19 =	simm.s32 $0x100;
	[dreg:$0x12] =	wrdreg s6  }
0x1b: {  	s4 =	simm.s32 $0x400;
	[dreg:$0x15] =	wrdreg s11;
	s1 =	ssub.s32 s12, s16  }
0x1c: {  	[dreg:$0x16] =	wrdreg s13;
	s25 =	simm.s32 $0x1C500;
	s18 =	smax.u32 s1, $0x1  }
0x1d: {  	s21 =	simm.s32 $0x180;
	[dreg:$0x1b] =	wrdreg s25;
	s25 =	sadd.s32 $0xFFFFFFFF, s18  }
0x1e: {  	s14 =	simm.s32 $0x14400;
	[dreg:$0x17] =	wrdreg s17;
	p2 =	sne.s32 s25, $0x0  }
.Ltmp0:
0x1f: {  	s9 =	simm.s32 $0x4;
	[dreg:$0x18] =	wrdreg s19;
	(pc) =	sbr.rel @!p2 .LBB2_1-.Ltmp0, $4  }
0x20: {  	s8 =	simm.s32 $0x6;
	s7 =	simm.s32 $0x7;
	[dreg:$0x19] =	wrdreg s21  }
0x21: {  	s24 =	simm.s32 $0x1C480;
	s16 =	simm.s32 $0x18400;
	s13 =	rddreg [dreg:$0xb]  }
0x22: {  	s26 =	simm.s32 $0x1C580;
	s12 =	simm.s32 $0x2;
	[dreg:$0x1a] =	wrdreg s24  }
0x23: {  	s11 =	simm.s32 $0x3;
	s6 =	simm.s32 $0x8;
	[dreg:$0x1c] =	wrdreg s26  }
0x24: {  	[tilespmem:s2], [sflag:$0x9] =	stream.linear.gather [hbm4b:s13+s2], $0x200, $0x38;
	[tilespmem:$0x1CA00] =	vst v63  }
0x25: {  	s1 =	rddreg [dreg:$0xc]  }
0x26: {  	[tilespmem:s23], [sflag:$0xA] =	stream.linear.gather [hbm4b:s1+s2], $0x200, $0x38;
	[tilespmem:$0x1CA00] =	vst v63  }
0x27: {  	_ =	swait.ge [sflag:s29], $0x200  }
0x28: {  	[sflag:s29] =	ssyncset.done $0x0  }
0x29: {  	[sflag:s29] =	ssyncadd.s32 $0xFFFFFE00  }
0x2a: {  	[tilespmem:s4], [sflag:$0x1] =	stream.indirect.gather [hbm4b:s15+s20], $0x80, s2, s20, $0xb8;
	[tilespmem:$0x1CA00] =	vst v63  }
0x2b: {  	s19 =	simm.s32 $0x4400  }
0x2c: {  	[tilespmem:s19], [sflag:$0x2] =	stream.indirect.gather [hbm4b:s15+s20], $0x80, s20, s20, $0xb8;
	[tilespmem:$0x1CA00] =	vst v63  }
0x2d: {  	s24 =	simm.s32 $0x8400;
	s21 =	rddreg [dreg:$0x18]  }
0x2e: {  	[tilespmem:s24], [sflag:$0x3] =	stream.indirect.gather [hbm4b:s15+s20], $0x80, s21, s20, $0xb8;
	[tilespmem:$0x1CA00] =	vst v63  }
0x2f: {  	s18 =	simm.s32 $0xC400;
	s26 =	rddreg [dreg:$0x19]  }
0x30: {  	[tilespmem:s18], [sflag:$0x4] =	stream.indirect.gather [hbm4b:s15+s20], $0x80, s26, s20, $0xb8;
	[tilespmem:$0x1CA00] =	vst v63  }
0x31: {  	s30 =	simm.s32 @!p0 $0x0;
	s31 =	simm.s32 @!p0 $0x1C600;
	s1 =	rddreg [dreg:$0xd]  }
0x32: {  	[tilespmem:s31], [sflag:$0xB] =	stream.linear.gather @!p0 [hbm4b:s1+s30], $0x400, $0x38;
	[tilespmem:$0x1CA00] =	vst v63  }
0x33: {  	_ =	swait.ge [sflag:s28], $0x200  }
0x34: {  	[sflag:s28] =	ssyncset.done $0x0  }
0x35: {  	s26 =	simm.s32 $0x10400;
	[sflag:s28] =	ssyncadd.s32 $0xFFFFFE00  }
0x36: {  	[tilespmem:s26], [sflag:$0x5] =	stream.indirect.gather [hbm4b:s3+s20], $0x80, s23, s20, $0xb8;
	[tilespmem:$0x1CA00] =	vst v63  }
0x37: {  	s0 =	simm.s32 $0x280  }
0x38: {  	[tilespmem:s14], [sflag:$0x6] =	stream.indirect.gather [hbm4b:s3+s20], $0x80, s0, s20, $0xb8;
	[tilespmem:$0x1CA00] =	vst v63  }
0x39: {  	s21 =	simm.s32 $0x300  }
0x3a: {  	[tilespmem:s16], [sflag:$0x7] =	stream.indirect.gather [hbm4b:s3+s20], $0x80, s21, s20, $0xb8;
	[tilespmem:$0x1CA00] =	vst v63  }
0x3b: {  	s17 =	simm.s32 $0x1C400  }
0x3c: {  	[tilespmem:s17], [sflag:$0x8] =	stream.indirect.gather [hbm4b:s22+s20], $0x1, s23, s20, $0xb8;
	[tilespmem:$0x1CA00] =	vst v63  }
0x3d: {  	s1 =	rddreg [dreg:$0x1a]  }
0x3e: {  	[tilespmem:s1], [sflag:$0x8] =	stream.indirect.gather [hbm4b:s22+s20], $0x1, s0, s20, $0xb8;
	[tilespmem:$0x1CA00] =	vst v63  }
0x3f: {  	s13 =	rddreg [dreg:$0x1b]  }
0x40: {  	[tilespmem:s13], [sflag:$0x8] =	stream.indirect.gather [hbm4b:s22+s20], $0x1, s21, s20, $0xb8;
	[tilespmem:$0x1CA00] =	vst v63  }
0x41: {  	s0 =	rddreg [dreg:$0x1c];
	s21 =	simm.s32 $0x380  }
0x42: {  	[tilespmem:s0], [sflag:$0x8] =	stream.indirect.gather [hbm4b:s22+s20], $0x1, s21, s20, $0xb8;
	[tilespmem:$0x1CA00] =	vst v63  }
0x43: {  	_ =	swait.ge [sflag:s5], $0x4000  }
0x44: {  	[sflag:s5] =	ssyncset.done $0x0  }
0x45: {  	s13 =	rddreg [dreg:$0xe];
	[sflag:s5] =	ssyncadd.s32 $0xFFFFC000  }
0x46: {  	[hbm4b:s13+s2] =	stream.linear.scatter [tilespmem:s4], [sflag:$0x1], $0x4000, $0x38;
	[tilespmem:$0x1CA00] =	vst v63  }
0x47: {  	_ =	swait.ge [sflag:s5], $0x4000  }
0x48: {  	[sflag:s5] =	ssyncset.done $0x0  }
0x49: {  	[sflag:s5] =	ssyncadd.s32 $0xFFFFC000  }
0x4a: {  	[tilespmem:s4], [sflag:$0x1] =	stream.indirect.gather [hbm4b:s3+s20], $0x80, s21, s20, $0xb8;
	[tilespmem:$0x1CA00] =	vst v63  }
0x4b: {  	_ =	swait.ge [sflag:s12], $0x4000  }
0x4c: {  	[sflag:s12] =	ssyncset.done $0x0  }
0x4d: {  	s21 =	rddreg [dreg:$0xf];
	[sflag:s12] =	ssyncadd.s32 $0xFFFFC000  }
0x4e: {  	[hbm4b:s21+s2] =	stream.linear.scatter [tilespmem:s19], [sflag:$0x2], $0x4000, $0x38;
	[tilespmem:$0x1CA00] =	vst v63  }
0x4f: {  	_ =	swait.ge [sflag:s11], $0x4000  }
0x50: {  	[sflag:s11] =	ssyncset.done $0x0  }
0x51: {  	s0 =	rddreg [dreg:$0x10];
	[sflag:s11] =	ssyncadd.s32 $0xFFFFC000  }
0x52: {  	[hbm4b:s0+s2] =	stream.linear.scatter [tilespmem:s24], [sflag:$0x3], $0x4000, $0x38;
	[tilespmem:$0x1CA00] =	vst v63  }
0x53: {  	_ =	swait.ge [sflag:s9], $0x4000  }
0x54: {  	[sflag:s9] =	ssyncset.done $0x0  }
0x55: {  	s13 =	rddreg [dreg:$0x11];
	[sflag:s9] =	ssyncadd.s32 $0xFFFFC000  }
0x56: {  	[hbm4b:s13+s2] =	stream.linear.scatter [tilespmem:s18], [sflag:$0x4], $0x4000, $0x38;
	[tilespmem:$0x1CA00] =	vst v63  }
0x57: {  	_ =	swait.ge [sflag:s10], $0x4000  }
0x58: {  	[sflag:s10] =	ssyncset.done $0x0  }
0x59: {  	s18 =	rddreg [dreg:$0x12];
	[sflag:s10] =	ssyncadd.s32 $0xFFFFC000  }
0x5a: {  	[hbm4b:s18+s2] =	stream.linear.scatter [tilespmem:s26], [sflag:$0x5], $0x4000, $0x38;
	[tilespmem:$0x1CA00] =	vst v63  }
0x5b: {  	_ =	swait.ge [sflag:s6], $0x80  }
0x5c: {  	[sflag:s6] =	ssyncset.done $0x0  }
0x5d: {  	[sflag:s6] =	ssyncadd.s32 $0xFFFFFF80  }
0x5e: {  	_ =	swait.ge [sflag:s6], $0x80  }
0x5f: {  	[sflag:s6] =	ssyncset.done $0x0  }
0x60: {  	[sflag:s6] =	ssyncadd.s32 $0xFFFFFF80  }
0x61: {  	_ =	swait.ge [sflag:s6], $0x80  }
0x62: {  	[sflag:s6] =	ssyncset.done $0x0  }
0x63: {  	[sflag:s6] =	ssyncadd.s32 $0xFFFFFF80  }
0x64: {  	_ =	swait.ge [sflag:s6], $0x80  }
0x65: {  	[sflag:s6] =	ssyncset.done $0x0  }
0x66: {  	s1 =	simm.s32 @!p0 $0xB;
	s19 =	rddreg [dreg:$0x13];
	[sflag:s6] =	ssyncadd.s32 $0xFFFFFF80  }
0x67: {  	[hbm4b:s19+s2] =	stream.linear.scatter [tilespmem:s17], [sflag:$0x8], $0x200, $0x38;
	[tilespmem:$0x1CA00] =	vst v63  }
0x68: {  	_ =	swait.ge @!p0 [sflag:s1], $0x400  }
0x69: {  	[sflag:s1] =	ssyncset.done @!p0 $0x0  }
0x6a: {  	s13 =	rddreg [dreg:$0x14];
	[sflag:s1] =	ssyncadd.s32 @!p0 $0xFFFFFC00  }
0x6b: {  	[hbm4b:s13+s30] =	stream.linear.scatter @!p0 [tilespmem:s31], [sflag:$0xB], $0x400, $0x38;
	[tilespmem:$0x1CA00] =	vst v63  }
0x6c: {  	_ =	swait.ge [sflag:s8], $0x4000  }
0x6d: {  	[sflag:s8] =	ssyncset.done $0x0  }
0x6e: {  	s21 =	rddreg [dreg:$0x15];
	[sflag:s8] =	ssyncadd.s32 $0xFFFFC000  }
0x6f: {  	[hbm4b:s21+s2] =	stream.linear.scatter [tilespmem:s14], [sflag:$0x6], $0x4000, $0x38;
	[tilespmem:$0x1CA00] =	vst v63  }
0x70: {  	_ =	swait.ge [sflag:s7], $0x4000  }
0x71: {  	[sflag:s7] =	ssyncset.done $0x0  }
0x72: {  	s24 =	rddreg [dreg:$0x16];
	[sflag:s7] =	ssyncadd.s32 $0xFFFFC000  }
0x73: {  	[hbm4b:s24+s2] =	stream.linear.scatter [tilespmem:s16], [sflag:$0x7], $0x4000, $0x38;
	[tilespmem:$0x1CA00] =	vst v63  }
0x74: {  	_ =	swait.ge [sflag:s5], $0x4000  }
0x75: {  	[sflag:s5] =	ssyncset.done $0x0  }
0x76: {  	s26 =	rddreg [dreg:$0x17];
	[sflag:s5] =	ssyncadd.s32 $0xFFFFC000  }
0x77: {  	[hbm4b:s26+s2] =	stream.linear.scatter [tilespmem:s4], [sflag:$0x1], $0x4000, $0x38;
	[tilespmem:$0x1CA00] =	vst v63  }
0x78: {  	_ =	swait.ge [sflag:s12], $0x4000  }
0x79: {  	[sflag:s12] =	ssyncset.done $0x0  }
0x7a: {  	[sflag:s12] =	ssyncadd.s32 $0xFFFFC000  }
0x7b: {  	_ =	swait.ge [sflag:s11], $0x4000  }
0x7c: {  	[sflag:s11] =	ssyncset.done $0x0  }
0x7d: {  	[sflag:s11] =	ssyncadd.s32 $0xFFFFC000  }
0x7e: {  	_ =	swait.ge [sflag:s9], $0x4000  }
0x7f: {  	[sflag:s9] =	ssyncset.done $0x0  }
0x80: {  	[sflag:s9] =	ssyncadd.s32 $0xFFFFC000  }
0x81: {  	_ =	swait.ge [sflag:s10], $0x4000  }
0x82: {  	[sflag:s10] =	ssyncset.done $0x0  }
0x83: {  	[sflag:s10] =	ssyncadd.s32 $0xFFFFC000  }
0x84: {  	_ =	swait.ge [sflag:s8], $0x4000  }
0x85: {  	[sflag:s8] =	ssyncset.done $0x0  }
0x86: {  	[sflag:s8] =	ssyncadd.s32 $0xFFFFC000  }
0x87: {  	_ =	swait.ge [sflag:s7], $0x4000  }
0x88: {  	[sflag:s7] =	ssyncset.done $0x0  }
0x89: {  	[sflag:s7] =	ssyncadd.s32 $0xFFFFC000  }
0x8a: {  	_ =	swait.ge [sflag:s5], $0x4000  }
0x8b: {  	s0 =	sadd.s32 $0xFFFFFFFF, s25;
	[sflag:s5] =	ssyncset.done $0x0  }
0x8c: {  	p2 =	sne.s32 s0, $0x0;
	[sflag:s5] =	ssyncadd.s32 $0xFFFFC000  }
.Ltmp1:
0x8d: {  	_ =	swait.ge [sflag:s6], $0x200;
	(pc) =	sbr.rel @!p2 .LBB2_7-.Ltmp1, $4  }
0x8e: {  	[sflag:s6] =	ssyncset.done $0x0  }
0x8f: {  	[sflag:s6] =	ssyncadd.s32 $0xFFFFFE00  }
0x90: {  	_ =	swait.ge @!p0 [sflag:s1], $0x400  }
0x91: {  	p1 =	por $0x1, $0x1;
	s13 =	rddreg [dreg:$0xb];
	[sflag:s1] =	ssyncset.done @!p0 $0x0  }
0x92: {  	s19 =	simm.s32 $0x4400;
	s24 =	simm.s32 $0x8400;
	s18 =	simm.s32 $0xC400  }
0x93: {  	s26 =	simm.s32 $0x10400;
	s25 =	simm.s32 $0x300;
	s21 =	simm.s32 $0x1C400  }
.LBB2_4:
0x94: {  	[sflag:s1] =	ssyncadd.s32 @!p0 $0xFFFFFC00  }
0x95: {  	[tilespmem:s2], [sflag:$0x9] =	stream.linear.gather [hbm4b:s13+s2], $0x200, $0x38;
	[tilespmem:$0x1CA00] =	vst v63  }
0x96: {  	s14 =	rddreg [dreg:$0xc]  }
0x97: {  	[tilespmem:s23], [sflag:$0xA] =	stream.linear.gather [hbm4b:s14+s2], $0x200, $0x38;
	[tilespmem:$0x1CA00] =	vst v63  }
0x98: {  	_ =	swait.ge [sflag:s29], $0x200  }
0x99: {  	[sflag:s29] =	ssyncset.done $0x0  }
0x9a: {  	[sflag:s29] =	ssyncadd.s32 $0xFFFFFE00  }
0x9b: {  	[tilespmem:s4], [sflag:$0x1] =	stream.indirect.gather [hbm4b:s15+s20], $0x80, s2, s20, $0xb8;
	[tilespmem:$0x1CA00] =	vst v63  }
0x9c: {  	_ = 	snop  }
0x9d: {  	[tilespmem:s19], [sflag:$0x2] =	stream.indirect.gather [hbm4b:s15+s20], $0x80, s20, s20, $0xb8;
	[tilespmem:$0x1CA00] =	vst v63  }
0x9e: {  	s14 =	rddreg [dreg:$0x18]  }
0x9f: {  	[tilespmem:s24], [sflag:$0x3] =	stream.indirect.gather [hbm4b:s15+s20], $0x80, s14, s20, $0xb8;
	[tilespmem:$0x1CA00] =	vst v63  }
0xa0: {  	s17 =	rddreg [dreg:$0x19]  }
0xa1: {  	[tilespmem:s18], [sflag:$0x4] =	stream.indirect.gather [hbm4b:s15+s20], $0x80, s17, s20, $0xb8;
	[tilespmem:$0x1CA00] =	vst v63  }
0xa2: {  	s13 =	rddreg [dreg:$0xd]  }
0xa3: {  	[tilespmem:s31], [sflag:$0xB] =	stream.linear.gather @!p0 [hbm4b:s13+s30], $0x400, $0x38;
	[tilespmem:$0x1CA00] =	vst v63  }
0xa4: {  	_ =	swait.ge [sflag:s28], $0x200  }
0xa5: {  	[sflag:s28] =	ssyncset.done $0x0  }
0xa6: {  	[sflag:s28] =	ssyncadd.s32 $0xFFFFFE00  }
0xa7: {  	[tilespmem:s26], [sflag:$0x5] =	stream.indirect.gather [hbm4b:s3+s20], $0x80, s23, s20, $0xb8;
	[tilespmem:$0x1CA00] =	vst v63  }
0xa8: {  	s16 =	simm.s32 $0x14400;
	s17 =	simm.s32 $0x280  }
0xa9: {  	[tilespmem:s16], [sflag:$0x6] =	stream.indirect.gather [hbm4b:s3+s20], $0x80, s17, s20, $0xb8;
	[tilespmem:$0x1CA00] =	vst v63  }
0xaa: {  	s16 =	simm.s32 $0x18400  }
0xab: {  	[tilespmem:s16], [sflag:$0x7] =	stream.indirect.gather [hbm4b:s3+s20], $0x80, s25, s20, $0xb8;
	[tilespmem:$0x1CA00] =	vst v63  }
0xac: {  	_ = 	snop  }
0xad: {  	[tilespmem:s21], [sflag:$0x8] =	stream.indirect.gather [hbm4b:s22+s20], $0x1, s23, s20, $0xb8;
	[tilespmem:$0x1CA00] =	vst v63  }
0xae: {  	s13 =	rddreg [dreg:$0x1a]  }
0xaf: {  	[tilespmem:s13], [sflag:$0x8] =	stream.indirect.gather [hbm4b:s22+s20], $0x1, s17, s20, $0xb8;
	[tilespmem:$0x1CA00] =	vst v63  }
0xb0: {  	s14 =	rddreg [dreg:$0x1b]  }
0xb1: {  	[tilespmem:s14], [sflag:$0x8] =	stream.indirect.gather [hbm4b:s22+s20], $0x1, s25, s20, $0xb8;
	[tilespmem:$0x1CA00] =	vst v63  }
0xb2: {  	s13 =	rddreg [dreg:$0x1c];
	s17 =	simm.s32 $0x380  }
0xb3: {  	[tilespmem:s13], [sflag:$0x8] =	stream.indirect.gather [hbm4b:s22+s20], $0x1, s17, s20, $0xb8;
	[tilespmem:$0x1CA00] =	vst v63  }
0xb4: {  	_ =	swait.ge [sflag:s5], $0x4000  }
0xb5: {  	[sflag:s5] =	ssyncset.done $0x0  }
0xb6: {  	s13 =	rddreg [dreg:$0xe];
	[sflag:s5] =	ssyncadd.s32 $0xFFFFC000  }
0xb7: {  	[hbm4b:s13+s2] =	stream.linear.scatter [tilespmem:s4], [sflag:$0x1], $0x4000, $0x38;
	[tilespmem:$0x1CA00] =	vst v63  }
0xb8: {  	_ =	swait.ge [sflag:s5], $0x4000  }
0xb9: {  	[sflag:s5] =	ssyncset.done $0x0  }
0xba: {  	[sflag:s5] =	ssyncadd.s32 $0xFFFFC000  }
0xbb: {  	[tilespmem:s4], [sflag:$0x1] =	stream.indirect.gather [hbm4b:s3+s20], $0x80, s17, s20, $0xb8;
	[tilespmem:$0x1CA00] =	vst v63  }
0xbc: {  	_ =	swait.ge [sflag:s12], $0x4000  }
0xbd: {  	[sflag:s12] =	ssyncset.done $0x0  }
0xbe: {  	s17 =	rddreg [dreg:$0xf];
	[sflag:s12] =	ssyncadd.s32 $0xFFFFC000  }
0xbf: {  	[hbm4b:s17+s2] =	stream.linear.scatter [tilespmem:s19], [sflag:$0x2], $0x4000, $0x38;
	[tilespmem:$0x1CA00] =	vst v63  }
0xc0: {  	_ =	swait.ge [sflag:s11], $0x4000  }
0xc1: {  	[sflag:s11] =	ssyncset.done $0x0  }
0xc2: {  	s17 =	rddreg [dreg:$0x10];
	[sflag:s11] =	ssyncadd.s32 $0xFFFFC000  }
0xc3: {  	[hbm4b:s17+s2] =	stream.linear.scatter [tilespmem:s24], [sflag:$0x3], $0x4000, $0x38;
	[tilespmem:$0x1CA00] =	vst v63  }
0xc4: {  	_ =	swait.ge [sflag:s9], $0x4000  }
0xc5: {  	[sflag:s9] =	ssyncset.done $0x0  }
0xc6: {  	s17 =	rddreg [dreg:$0x11];
	[sflag:s9] =	ssyncadd.s32 $0xFFFFC000  }
0xc7: {  	[hbm4b:s17+s2] =	stream.linear.scatter [tilespmem:s18], [sflag:$0x4], $0x4000, $0x38;
	[tilespmem:$0x1CA00] =	vst v63  }
0xc8: {  	_ =	swait.ge [sflag:s10], $0x4000  }
0xc9: {  	[sflag:s10] =	ssyncset.done $0x0  }
0xca: {  	s17 =	rddreg [dreg:$0x12];
	[sflag:s10] =	ssyncadd.s32 $0xFFFFC000  }
0xcb: {  	[hbm4b:s17+s2] =	stream.linear.scatter [tilespmem:s26], [sflag:$0x5], $0x4000, $0x38;
	[tilespmem:$0x1CA00] =	vst v63  }
0xcc: {  	_ =	swait.ge [sflag:s6], $0x80  }
0xcd: {  	[sflag:s6] =	ssyncset.done $0x0  }
0xce: {  	[sflag:s6] =	ssyncadd.s32 $0xFFFFFF80  }
0xcf: {  	_ =	swait.ge [sflag:s6], $0x80  }
0xd0: {  	[sflag:s6] =	ssyncset.done $0x0  }
0xd1: {  	[sflag:s6] =	ssyncadd.s32 $0xFFFFFF80  }
0xd2: {  	_ =	swait.ge [sflag:s6], $0x80  }
0xd3: {  	[sflag:s6] =	ssyncset.done $0x0  }
0xd4: {  	[sflag:s6] =	ssyncadd.s32 $0xFFFFFF80  }
0xd5: {  	_ =	swait.ge [sflag:s6], $0x80  }
0xd6: {  	[sflag:s6] =	ssyncset.done $0x0  }
0xd7: {  	s17 =	rddreg [dreg:$0x13];
	[sflag:s6] =	ssyncadd.s32 $0xFFFFFF80  }
0xd8: {  	[hbm4b:s17+s2] =	stream.linear.scatter [tilespmem:s21], [sflag:$0x8], $0x200, $0x38;
	[tilespmem:$0x1CA00] =	vst v63  }
0xd9: {  	_ =	swait.ge @!p0 [sflag:s1], $0x400  }
0xda: {  	[sflag:s1] =	ssyncset.done @!p0 $0x0  }
0xdb: {  	s13 =	rddreg [dreg:$0x14];
	[sflag:s1] =	ssyncadd.s32 @!p0 $0xFFFFFC00  }
0xdc: {  	[hbm4b:s13+s30] =	stream.linear.scatter @!p0 [tilespmem:s31], [sflag:$0xB], $0x400, $0x38;
	[tilespmem:$0x1CA00] =	vst v63  }
0xdd: {  	_ =	swait.ge [sflag:s8], $0x4000  }
0xde: {  	[sflag:s8] =	ssyncset.done $0x0  }
0xdf: {  	s14 =	simm.s32 $0x14400;
	s17 =	rddreg [dreg:$0x15];
	[sflag:s8] =	ssyncadd.s32 $0xFFFFC000  }
0xe0: {  	[hbm4b:s17+s2] =	stream.linear.scatter [tilespmem:s14], [sflag:$0x6], $0x4000, $0x38;
	[tilespmem:$0x1CA00] =	vst v63  }
0xe1: {  	_ =	swait.ge [sflag:s7], $0x4000  }
0xe2: {  	[sflag:s7] =	ssyncset.done $0x0  }
0xe3: {  	s17 =	rddreg [dreg:$0x16];
	[sflag:s7] =	ssyncadd.s32 $0xFFFFC000  }
0xe4: {  	[hbm4b:s17+s2] =	stream.linear.scatter [tilespmem:s16], [sflag:$0x7], $0x4000, $0x38;
	[tilespmem:$0x1CA00] =	vst v63  }
0xe5: {  	_ =	swait.ge [sflag:s5], $0x4000  }
0xe6: {  	[sflag:s5] =	ssyncset.done $0x0  }
0xe7: {  	s17 =	rddreg [dreg:$0x17];
	[sflag:s5] =	ssyncadd.s32 $0xFFFFC000  }
0xe8: {  	[hbm4b:s17+s2] =	stream.linear.scatter [tilespmem:s4], [sflag:$0x1], $0x4000, $0x38;
	[tilespmem:$0x1CA00] =	vst v63  }
0xe9: {  	_ =	swait.ge [sflag:s12], $0x4000  }
0xea: {  	[sflag:s12] =	ssyncset.done $0x0  }
0xeb: {  	[sflag:s12] =	ssyncadd.s32 $0xFFFFC000  }
0xec: {  	_ =	swait.ge [sflag:s11], $0x4000  }
0xed: {  	[sflag:s11] =	ssyncset.done $0x0  }
0xee: {  	[sflag:s11] =	ssyncadd.s32 $0xFFFFC000  }
0xef: {  	_ =	swait.ge [sflag:s9], $0x4000  }
0xf0: {  	[sflag:s9] =	ssyncset.done $0x0  }
0xf1: {  	[sflag:s9] =	ssyncadd.s32 $0xFFFFC000  }
0xf2: {  	_ =	swait.ge [sflag:s10], $0x4000  }
0xf3: {  	[sflag:s10] =	ssyncset.done $0x0  }
0xf4: {  	[sflag:s10] =	ssyncadd.s32 $0xFFFFC000  }
0xf5: {  	_ =	swait.ge [sflag:s8], $0x4000  }
0xf6: {  	[sflag:s8] =	ssyncset.done $0x0  }
0xf7: {  	[sflag:s8] =	ssyncadd.s32 $0xFFFFC000  }
0xf8: {  	_ =	swait.ge [sflag:s7], $0x4000  }
0xf9: {  	[sflag:s7] =	ssyncset.done $0x0  }
0xfa: {  	[sflag:s7] =	ssyncadd.s32 $0xFFFFC000  }
0xfb: {  	_ =	swait.ge [sflag:s5], $0x4000  }
0xfc: {  	s0 =	sadd.s32 $0xFFFFFFFF, s0;
	[sflag:s5] =	ssyncset.done $0x0  }
0xfd: {  	p2 =	sne.s32 s0, $0x0;
	[sflag:s5] =	ssyncadd.s32 $0xFFFFC000  }
.Ltmp2:
0xfe: {  	_ =	swait.ge [sflag:s6], $0x200;
	(pc) =	sbr.rel @p2 .LBB2_4-.Ltmp2, $4  }
0xff: {  	[sflag:s6] =	ssyncset.done $0x0  }
0x100: {  	[sflag:s6] =	ssyncadd.s32 $0xFFFFFE00  }
0x101: {  	_ =	swait.ge @!p0 [sflag:s1], $0x400  }
0x102: {  	s13 =	rddreg [dreg:$0xb];
	[sflag:s1] =	ssyncset.done @!p0 $0x0  }
0x103: {  	s30 =	stileid.u32;
	s31 =	rddreg [dreg:$0xa]  }
.LBB2_6:
0x104: {  	p1 =	por p0, !p1  }
0x105: {  	[sflag:s1] =	ssyncadd.s32 @!p1 $0xFFFFFC00  }
0x106: {  	[tilespmem:s2], [sflag:$0x9] =	stream.linear.gather [hbm4b:s13+s2], $0x200, $0x38;
	[tilespmem:$0x1CA00] =	vst v63  }
0x107: {  	s0 =	rddreg [dreg:$0xc]  }
0x108: {  	[tilespmem:s23], [sflag:$0xA] =	stream.linear.gather [hbm4b:s0+s2], $0x200, $0x38;
	[tilespmem:$0x1CA00] =	vst v63  }
0x109: {  	_ =	swait.ge [sflag:s29], $0x200  }
0x10a: {  	[sflag:s29] =	ssyncset.done $0x0  }
0x10b: {  	[sflag:s29] =	ssyncadd.s32 $0xFFFFFE00  }
0x10c: {  	[tilespmem:s4], [sflag:$0x1] =	stream.indirect.gather [hbm4b:s15+s20], $0x80, s2, s20, $0xb8;
	[tilespmem:$0x1CA00] =	vst v63  }
0x10d: {  	s24 =	simm.s32 $0x4400  }
0x10e: {  	[tilespmem:s24], [sflag:$0x2] =	stream.indirect.gather [hbm4b:s15+s20], $0x80, s20, s20, $0xb8;
	[tilespmem:$0x1CA00] =	vst v63  }
0x10f: {  	s21 =	simm.s32 $0x8400;
	s26 =	rddreg [dreg:$0x18]  }
0x110: {  	[tilespmem:s21], [sflag:$0x3] =	stream.indirect.gather [hbm4b:s15+s20], $0x80, s26, s20, $0xb8;
	[tilespmem:$0x1CA00] =	vst v63  }
0x111: {  	s19 =	simm.s32 $0xC400;
	s29 =	rddreg [dreg:$0x19]  }
0x112: {  	[tilespmem:s19], [sflag:$0x4] =	stream.indirect.gather [hbm4b:s15+s20], $0x80, s29, s20, $0xb8;
	[tilespmem:$0x1CA00] =	vst v63  }
0x113: {  	s1 =	simm.s32 @!p0 $0x1C600;
	s0 =	simm.s32 @!p0 $0x0;
	s13 =	rddreg [dreg:$0xd]  }
0x114: {  	[tilespmem:s1], [sflag:$0xB] =	stream.linear.gather @!p0 [hbm4b:s13+s0], $0x400, $0x38;
	[tilespmem:$0x1CA00] =	vst v63  }
0x115: {  	_ =	swait.ge [sflag:s28], $0x200  }
0x116: {  	[sflag:s28] =	ssyncset.done $0x0  }
0x117: {  	s18 =	simm.s32 $0x10400;
	[sflag:s28] =	ssyncadd.s32 $0xFFFFFE00  }
0x118: {  	[tilespmem:s18], [sflag:$0x5] =	stream.indirect.gather [hbm4b:s3+s20], $0x80, s23, s20, $0xb8;
	[tilespmem:$0x1CA00] =	vst v63  }
0x119: {  	s25 =	simm.s32 $0x280  }
0x11a: {  	[tilespmem:s14], [sflag:$0x6] =	stream.indirect.gather [hbm4b:s3+s20], $0x80, s25, s20, $0xb8;
	[tilespmem:$0x1CA00] =	vst v63  }
0x11b: {  	s26 =	simm.s32 $0x300  }
0x11c: {  	[tilespmem:s16], [sflag:$0x7] =	stream.indirect.gather [hbm4b:s3+s20], $0x80, s26, s20, $0xb8;
	[tilespmem:$0x1CA00] =	vst v63  }
0x11d: {  	s17 =	simm.s32 $0x1C400  }
0x11e: {  	[tilespmem:s17], [sflag:$0x8] =	stream.indirect.gather [hbm4b:s22+s20], $0x1, s23, s20, $0xb8;
	[tilespmem:$0x1CA00] =	vst v63  }
0x11f: {  	s14 =	rddreg [dreg:$0x1a]  }
0x120: {  	[tilespmem:s14], [sflag:$0x8] =	stream.indirect.gather [hbm4b:s22+s20], $0x1, s25, s20, $0xb8;
	[tilespmem:$0x1CA00] =	vst v63  }
0x121: {  	s23 =	rddreg [dreg:$0x1b]  }
0x122: {  	[tilespmem:s23], [sflag:$0x8] =	stream.indirect.gather [hbm4b:s22+s20], $0x1, s26, s20, $0xb8;
	[tilespmem:$0x1CA00] =	vst v63  }
0x123: {  	s28 =	simm.s32 $0x380;
	s25 =	rddreg [dreg:$0x1c]  }
0x124: {  	[tilespmem:s25], [sflag:$0x8] =	stream.indirect.gather [hbm4b:s22+s20], $0x1, s28, s20, $0xb8;
	[tilespmem:$0x1CA00] =	vst v63  }
0x125: {  	_ =	swait.ge [sflag:s5], $0x4000  }
0x126: {  	[sflag:s5] =	ssyncset.done $0x0  }
0x127: {  	s29 =	rddreg [dreg:$0xe];
	[sflag:s5] =	ssyncadd.s32 $0xFFFFC000  }
0x128: {  	[hbm4b:s29+s2] =	stream.linear.scatter [tilespmem:s4], [sflag:$0x1], $0x4000, $0x38;
	[tilespmem:$0x1CA00] =	vst v63  }
0x129: {  	_ =	swait.ge [sflag:s5], $0x4000  }
0x12a: {  	[sflag:s5] =	ssyncset.done $0x0  }
0x12b: {  	[sflag:s5] =	ssyncadd.s32 $0xFFFFC000  }
0x12c: {  	[tilespmem:s4], [sflag:$0x1] =	stream.indirect.gather [hbm4b:s3+s20], $0x80, s28, s20, $0xb8;
	[tilespmem:$0x1CA00] =	vst v63  }
0x12d: {  	_ =	swait.ge [sflag:s12], $0x4000  }
0x12e: {  	[sflag:s12] =	ssyncset.done $0x0  }
0x12f: {  	s20 =	rddreg [dreg:$0xf];
	[sflag:s12] =	ssyncadd.s32 $0xFFFFC000  }
0x130: {  	[hbm4b:s20+s2] =	stream.linear.scatter [tilespmem:s24], [sflag:$0x2], $0x4000, $0x38;
	[tilespmem:$0x1CA00] =	vst v63  }
0x131: {  	_ =	swait.ge [sflag:s11], $0x4000  }
0x132: {  	[sflag:s11] =	ssyncset.done $0x0  }
0x133: {  	s22 =	rddreg [dreg:$0x10];
	[sflag:s11] =	ssyncadd.s32 $0xFFFFC000  }
0x134: {  	[hbm4b:s22+s2] =	stream.linear.scatter [tilespmem:s21], [sflag:$0x3], $0x4000, $0x38;
	[tilespmem:$0x1CA00] =	vst v63  }
0x135: {  	_ =	swait.ge [sflag:s9], $0x4000  }
0x136: {  	[sflag:s9] =	ssyncset.done $0x0  }
0x137: {  	s23 =	rddreg [dreg:$0x11];
	[sflag:s9] =	ssyncadd.s32 $0xFFFFC000  }
0x138: {  	[hbm4b:s23+s2] =	stream.linear.scatter [tilespmem:s19], [sflag:$0x4], $0x4000, $0x38;
	[tilespmem:$0x1CA00] =	vst v63  }
0x139: {  	_ =	swait.ge [sflag:s10], $0x4000  }
0x13a: {  	[sflag:s10] =	ssyncset.done $0x0  }
0x13b: {  	s24 =	rddreg [dreg:$0x12];
	[sflag:s10] =	ssyncadd.s32 $0xFFFFC000  }
0x13c: {  	[hbm4b:s24+s2] =	stream.linear.scatter [tilespmem:s18], [sflag:$0x5], $0x4000, $0x38;
	[tilespmem:$0x1CA00] =	vst v63  }
0x13d: {  	_ =	swait.ge [sflag:s6], $0x80  }
0x13e: {  	[sflag:s6] =	ssyncset.done $0x0  }
0x13f: {  	[sflag:s6] =	ssyncadd.s32 $0xFFFFFF80  }
0x140: {  	_ =	swait.ge [sflag:s6], $0x80  }
0x141: {  	[sflag:s6] =	ssyncset.done $0x0  }
0x142: {  	[sflag:s6] =	ssyncadd.s32 $0xFFFFFF80  }
0x143: {  	_ =	swait.ge [sflag:s6], $0x80  }
0x144: {  	[sflag:s6] =	ssyncset.done $0x0  }
0x145: {  	[sflag:s6] =	ssyncadd.s32 $0xFFFFFF80  }
0x146: {  	_ =	swait.ge [sflag:s6], $0x80  }
0x147: {  	[sflag:s6] =	ssyncset.done $0x0  }
0x148: {  	s3 =	simm.s32 @!p0 $0xB;
	s25 =	rddreg [dreg:$0x13];
	[sflag:s6] =	ssyncadd.s32 $0xFFFFFF80  }
0x149: {  	[hbm4b:s25+s2] =	stream.linear.scatter [tilespmem:s17], [sflag:$0x8], $0x200, $0x38;
	[tilespmem:$0x1CA00] =	vst v63  }
0x14a: {  	_ =	swait.ge @!p0 [sflag:s3], $0x400  }
0x14b: {  	[sflag:s3] =	ssyncset.done @!p0 $0x0  }
0x14c: {  	s13 =	rddreg [dreg:$0x14];
	[sflag:s3] =	ssyncadd.s32 @!p0 $0xFFFFFC00  }
0x14d: {  	[hbm4b:s13+s0] =	stream.linear.scatter @!p0 [tilespmem:s1], [sflag:$0xB], $0x400, $0x38;
	[tilespmem:$0x1CA00] =	vst v63  }
0x14e: {  	_ =	swait.ge [sflag:s8], $0x4000  }
0x14f: {  	[sflag:s8] =	ssyncset.done $0x0  }
0x150: {  	s15 =	simm.s32 $0x14400;
	s26 =	rddreg [dreg:$0x15];
	[sflag:s8] =	ssyncadd.s32 $0xFFFFC000  }
0x151: {  	[hbm4b:s26+s2] =	stream.linear.scatter [tilespmem:s15], [sflag:$0x6], $0x4000, $0x38;
	[tilespmem:$0x1CA00] =	vst v63  }
0x152: {  	_ =	swait.ge [sflag:s7], $0x4000  }
0x153: {  	[sflag:s7] =	ssyncset.done $0x0  }
0x154: {  	s28 =	rddreg [dreg:$0x16];
	[sflag:s7] =	ssyncadd.s32 $0xFFFFC000  }
0x155: {  	[hbm4b:s28+s2] =	stream.linear.scatter [tilespmem:s16], [sflag:$0x7], $0x4000, $0x38;
	[tilespmem:$0x1CA00] =	vst v63  }
0x156: {  	_ =	swait.ge [sflag:s5], $0x4000  }
0x157: {  	[sflag:s5] =	ssyncset.done $0x0  }
0x158: {  	s29 =	rddreg [dreg:$0x17];
	[sflag:s5] =	ssyncadd.s32 $0xFFFFC000  }
0x159: {  	[hbm4b:s29+s2] =	stream.linear.scatter [tilespmem:s4], [sflag:$0x1], $0x4000, $0x38;
	[tilespmem:$0x1CA00] =	vst v63  }
0x15a: {  	_ =	swait.ge [sflag:s12], $0x4000  }
0x15b: {  	[sflag:s12] =	ssyncset.done $0x0  }
0x15c: {  	[sflag:s12] =	ssyncadd.s32 $0xFFFFC000  }
0x15d: {  	_ =	swait.ge [sflag:s11], $0x4000  }
0x15e: {  	[sflag:s11] =	ssyncset.done $0x0  }
0x15f: {  	[sflag:s11] =	ssyncadd.s32 $0xFFFFC000  }
0x160: {  	_ =	swait.ge [sflag:s9], $0x4000  }
0x161: {  	[sflag:s9] =	ssyncset.done $0x0  }
0x162: {  	[sflag:s9] =	ssyncadd.s32 $0xFFFFC000  }
0x163: {  	_ =	swait.ge [sflag:s10], $0x4000  }
0x164: {  	[sflag:s10] =	ssyncset.done $0x0  }
0x165: {  	[sflag:s10] =	ssyncadd.s32 $0xFFFFC000  }
0x166: {  	_ =	swait.ge [sflag:s8], $0x4000  }
0x167: {  	[sflag:s8] =	ssyncset.done $0x0  }
0x168: {  	[sflag:s8] =	ssyncadd.s32 $0xFFFFC000  }
0x169: {  	_ =	swait.ge [sflag:s7], $0x4000  }
0x16a: {  	[sflag:s7] =	ssyncset.done $0x0  }
0x16b: {  	[sflag:s7] =	ssyncadd.s32 $0xFFFFC000  }
0x16c: {  	_ =	swait.ge [sflag:s5], $0x4000  }
0x16d: {  	[sflag:s5] =	ssyncset.done $0x0  }
0x16e: {  	[sflag:s5] =	ssyncadd.s32 $0xFFFFC000  }
0x16f: {  	_ =	swait.ge [sflag:s6], $0x200  }
0x170: {  	[sflag:s6] =	ssyncset.done $0x0  }
0x171: {  	[sflag:s6] =	ssyncadd.s32 $0xFFFFFE00  }
0x172: {  	_ =	swait.ge @!p0 [sflag:s3], $0x400  }
0x173: {  	[sflag:s3] =	ssyncset.done @!p0 $0x0  }
0x174: {  	[sflag:s3] =	ssyncadd.s32 @!p0 $0xFFFFFC00  }
0x175: {  	_ =	sfence.sel $0x180000  }
0x176: {  	[bflag:$0x0] =	sbarrier.arrive $0xFFFF  }
0x177: {  	p0 =	sne.s32 s30, $0x0;
	_ =	strace $0x90000047  }
0x178: {  	s0 =	sadd.s32 @!p0 $0x100000, s31;
	[bflag:$0x2] =	sbarrier.arrive $0xFFFF  }
0x179: {  	[sflag:s0] =	ssyncadd.tile.s32 @!p0 $0x1;
	_ =	shalt  }
.LBB2_1:
.Ltmp3:
0x17a: {  	(pc) =	sbr.rel .LBB2_6-.Ltmp3, $2  }
0x17b: {  	_ =	sdelay $0x2  }
0x17c: {  	_ = 	snop  }
.LBB2_7:
.Ltmp4:
0x17d: {  	(pc) =	sbr.rel .LBB2_6-.Ltmp4, $2  }
0x17e: {  	_ =	sdelay $0x2  }
0x17f: {  	s30 =	stileid.u32;
	s31 =	rddreg [dreg:$0xa]  }
.Lfunc_end2:
_tile_overlayer_lowered:
.L_overlay_start_2:
0x180: {  	(tag) =	ssettag $0x2  }
0x181: {  	s0 =	rddreg [dreg:$0x0];
	s2 =	stileid.u32  }
0x182: {  	s1 =	rddreg [dreg:$0x1];
	p0 =	sne.s32 s2, $0x0  }
0x183: {  	s3 =	rddreg [dreg:$0x2];
	[bflag:$0x3] =	sbarrier.arrive $0xFFFF;
	s2 =	simm.s32 @!p0 $0x1C0C  }
0x184: {  	[timem:s3], [sflag:s2] =	dma.local @!p0 [hbm:s0], s1  }
0x185: {  	s0 =	simm.s32 @!p0 $0xC  }
0x186: {  	_ =	swait.ge @!p0 [sflag:s0], s1  }
0x187: {  	s1 =	ssub.s32 @!p0 $0x0, s1;
	[sflag:s0] =	ssyncset.done @!p0 $0x0  }
0x188: {  	[sflag:s0] =	ssyncadd.s32 @!p0 s1  }
0x189: {  	[bflag:$0x3] =	sbarrier.arrive $0xFFFF  }
0x18a: {  	_ =	shalt  }

</sc_bundles>
